<compile_context>
chip_gen: v7x
topology: tpu7x:2x2x1
jax: 0.10.2.dev20260603
libtpu: 0.0.44.dev20260713+nightly
codegen_flags: <defaults>
</compile_context>

<pallas_src>
import functools

import jax
import jax.numpy as jnp
from jax import lax
from jax.experimental import pallas as pl
from jax.experimental.pallas import tpu as pltpu
from jax.experimental.pallas import tpu_sc as plsc

N = 10000
E = 320000
IN = 128
H = 4
D = 32
HD = H * D
LP = 16

NC, NS = 2, 16
NW = NC * NS
EPW = E // NW
CHUNK = 40
NCHUNK = EPW // CHUNK
RPT = 624
TAIL0 = NS * RPT
TAILR = N - TAIL0

ROWS_TC = 1000
GRID_TC = N // ROWS_TC



def _proj_body(feat_ref, w_ref, al_ref, ar_ref, h_ref, el_ref, er_ref):
    h = jnp.dot(feat_ref[...], w_ref[...], preferred_element_type=jnp.float32)
    h_ref[...] = h
    el_ref[...] = jnp.dot(h, al_ref[...], preferred_element_type=jnp.float32)
    er_ref[...] = jnp.dot(h, ar_ref[...], preferred_element_type=jnp.float32)


def _project(feat, W, almat, armat):
    return pl.pallas_call(
        _proj_body,
        grid=(GRID_TC,),
        in_specs=[
            pl.BlockSpec((ROWS_TC, IN), lambda i: (i, 0)),
            pl.BlockSpec((IN, HD), lambda i: (0, 0)),
            pl.BlockSpec((HD, LP), lambda i: (0, 0)),
            pl.BlockSpec((HD, LP), lambda i: (0, 0)),
        ],
        out_specs=[
            pl.BlockSpec((ROWS_TC, HD), lambda i: (i, 0)),
            pl.BlockSpec((ROWS_TC, LP), lambda i: (i, 0)),
            pl.BlockSpec((ROWS_TC, LP), lambda i: (i, 0)),
        ],
        out_shape=[
            jax.ShapeDtypeStruct((N, HD), jnp.float32),
            jax.ShapeDtypeStruct((N, LP), jnp.float32),
            jax.ShapeDtypeStruct((N, LP), jnp.float32),
        ],
    )(feat, W, almat, armat)



def _edge_body(h_hbm, el_hbm, er_hbm, src_hbm, dst_hbm, zn_hbm, zd_hbm,
               num_out, den_out,
               num_s, den_s, srcall_v, dstall_v,
               ev0, rv0, hv0, sc0, dc0, semg0, sems0,
               ev1, rv1, hv1, sc1, dc1, semg1, sems1):
    c = lax.axis_index("c")
    s = lax.axis_index("s")
    wid = c * NS + s
    r0 = pl.multiple_of(s * RPT, 8)

    pltpu.sync_copy(zn_hbm.at[pl.ds(r0, RPT), :], num_s.at[pl.ds(r0, RPT), :])
    pltpu.sync_copy(zd_hbm.at[pl.ds(r0, RPT), :], den_s.at[pl.ds(r0, RPT), :])

    @pl.when(s == NS - 1)
    def _zero_tail():
        pltpu.sync_copy(zn_hbm.at[pl.ds(TAIL0, TAILR), :],
                        num_s.at[pl.ds(TAIL0, TAILR), :])
        pltpu.sync_copy(zd_hbm.at[pl.ds(TAIL0, TAILR), :],
                        den_s.at[pl.ds(TAIL0, TAILR), :])

    plsc.subcore_barrier()

    base = wid * EPW

    pltpu.sync_copy(src_hbm.at[pl.ds(base, EPW)], srcall_v)
    pltpu.sync_copy(dst_hbm.at[pl.ds(base, EPW)], dstall_v)

    COPY_OFFS = [0, 16, 24]

    def fire(i, ev, rv, hv, sc, dc, sem):
        o = pl.multiple_of(i * CHUNK, 8)
        for t in COPY_OFFS:
            sc[pl.ds(t, 16)] = srcall_v[pl.ds(o + t, 16)]
            dc[pl.ds(t, 16)] = dstall_v[pl.ds(o + t, 16)]
        pltpu.async_copy(el_hbm.at[sc], ev, sem)
        pltpu.async_copy(er_hbm.at[dc], rv, sem)
        pltpu.async_copy(h_hbm.at[sc], hv, sem)

    def drain(ev, rv, hv, sc, dc, sem):
        pltpu.make_async_copy(el_hbm.at[sc], ev, sem).wait()
        pltpu.make_async_copy(er_hbm.at[dc], rv, sem).wait()
        pltpu.make_async_copy(h_hbm.at[sc], hv, sem).wait()

    def compute(ev, rv, hv):
        def ebody(j, carry):
            x = ev[j, :] + rv[j, :]
            w = jnp.exp(jnp.maximum(x, 0.2 * x))
            ev[j, :] = w
            for hh in range(H):
                ws = w[hh]
                for kk in range(D // 16):
                    sl = hh * D + kk * 16
                    hv[j, pl.ds(sl, 16)] = hv[j, pl.ds(sl, 16)] * ws
            return carry

        lax.fori_loop(0, CHUNK, ebody, 0, unroll=2)

    def scat(ev, hv, dc, sem):
        pltpu.async_copy(hv, num_s.at[dc], sem, add=True)
        pltpu.async_copy(ev, den_s.at[dc], sem, add=True)

    def scat_wait(ev, hv, dc, sem):
        pltpu.make_async_copy(hv, num_s.at[dc], sem).wait()
        pltpu.make_async_copy(ev, den_s.at[dc], sem).wait()

    fire(0, ev0, rv0, hv0, sc0, dc0, semg0)

    def pair(k, carry):
        @pl.when(k > 0)
        def _():
            scat_wait(ev1, hv1, dc1, sems1)

        fire(2 * k + 1, ev1, rv1, hv1, sc1, dc1, semg1)
        drain(ev0, rv0, hv0, sc0, dc0, semg0)
        compute(ev0, rv0, hv0)
        scat(ev0, hv0, dc0, sems0)

        scat_wait(ev0, hv0, dc0, sems0)

        @pl.when(2 * k + 2 < NCHUNK)
        def _():
            fire(2 * k + 2, ev0, rv0, hv0, sc0, dc0, semg0)

        drain(ev1, rv1, hv1, sc1, dc1, semg1)
        compute(ev1, rv1, hv1)
        scat(ev1, hv1, dc1, sems1)
        return carry

    lax.fori_loop(0, NCHUNK // 2, pair, 0)
    scat_wait(ev1, hv1, dc1, sems1)
    plsc.subcore_barrier()

    pltpu.sync_copy(num_s.at[pl.ds(r0, RPT), :], num_out.at[c, pl.ds(r0, RPT), :])
    pltpu.sync_copy(den_s.at[pl.ds(r0, RPT), :], den_out.at[c, pl.ds(r0, RPT), :])

    @pl.when(s == NS - 1)
    def _export_tail():
        pltpu.sync_copy(num_s.at[pl.ds(TAIL0, TAILR), :],
                        num_out.at[c, pl.ds(TAIL0, TAILR), :])
        pltpu.sync_copy(den_s.at[pl.ds(TAIL0, TAILR), :],
                        den_out.at[c, pl.ds(TAIL0, TAILR), :])


def _edge_pass(h, el, er, src, dst, zn, zd):
    mesh = plsc.VectorSubcoreMesh(core_axis_name="c", subcore_axis_name="s")
    fn = pl.kernel(
        _edge_body,
        out_type=(
            jax.ShapeDtypeStruct((NC, N, HD), jnp.float32),
            jax.ShapeDtypeStruct((NC, N, LP), jnp.float32),
        ),
        mesh=mesh,
        scratch_types=[
            pltpu.VMEM_SHARED((N, HD), jnp.float32),
            pltpu.VMEM_SHARED((N, LP), jnp.float32),
            pltpu.VMEM((EPW,), jnp.int32),
            pltpu.VMEM((EPW,), jnp.int32),
        ] + 2 * [
            pltpu.VMEM((CHUNK, LP), jnp.float32),
            pltpu.VMEM((CHUNK, LP), jnp.float32),
            pltpu.VMEM((CHUNK, HD), jnp.float32),
            pltpu.VMEM((CHUNK,), jnp.int32),
            pltpu.VMEM((CHUNK,), jnp.int32),
            pltpu.SemaphoreType.DMA,
            pltpu.SemaphoreType.DMA,
        ],
        compiler_params=pltpu.CompilerParams(use_tc_tiling_on_sc=False),
    )
    return fn(h, el, er, src, dst, zn, zd)



def _finish_body(num_ref, den_ref, bias_ref, out_ref):
    num = num_ref[0] + num_ref[1]
    den = den_ref[0] + den_ref[1]
    r = lax.broadcasted_iota(jnp.int32, (LP, HD), 0)
    l = lax.broadcasted_iota(jnp.int32, (LP, HD), 1)
    sel = jnp.where(r == l // D, 1.0, 0.0)
    den128 = jnp.dot(den, sel, preferred_element_type=jnp.float32)
    out = jnp.where(den128 > 0.0, num / den128, 0.0) + bias_ref[...]
    out_ref[...] = out


def _finish(num2, den2, bias):
    return pl.pallas_call(
        _finish_body,
        grid=(GRID_TC,),
        in_specs=[
            pl.BlockSpec((NC, ROWS_TC, HD), lambda i: (0, i, 0)),
            pl.BlockSpec((NC, ROWS_TC, LP), lambda i: (0, i, 0)),
            pl.BlockSpec((1, HD), lambda i: (0, 0)),
        ],
        out_specs=pl.BlockSpec((ROWS_TC, HD), lambda i: (i, 0)),
        out_shape=jax.ShapeDtypeStruct((N, HD), jnp.float32),
    )(num2, den2, bias.reshape(1, HD))



@jax.jit
def kernel(feat, edge_index, W, attn_l, attn_r, bias):
    rows = jnp.arange(HD)[:, None] // D
    cols = jnp.arange(LP)[None, :]
    mask = (rows == cols).astype(jnp.float32)
    almat = attn_l.reshape(HD, 1) * mask
    armat = attn_r.reshape(HD, 1) * mask

    h, el, er = _project(feat, W.astype(jnp.float32), almat, armat)

    src = edge_index[0].astype(jnp.int32)
    dst = edge_index[1].astype(jnp.int32)
    zn = jnp.zeros((N, HD), jnp.float32)
    zd = jnp.zeros((N, LP), jnp.float32)
    num2, den2 = _edge_pass(h, el, er, src, dst, zn, zd)

    return _finish(num2, den2, bias.astype(jnp.float32))

# --- scband reference (transcript-rebuilt; emitter-appended) ---
"""Pipeline reference for scband-concatenation-attention-heads-31860067402326 (READ-ONLY COPY).

The authoritative reference and input builder live on the scoring server;
editing this copy changes nothing except your own understanding.
"""

import jax, jax.numpy as jnp
import numpy as np

N = 10000
E = 320000
IN = 128
H = 4
D = 32  # out_features // num_heads = 128 // 4


def setup_inputs(seed: int = 0) -> dict:
    key = jax.random.key(seed)
    k1, k2, k3, k4, k5 = jax.random.split(key, 5)
    feat = jax.random.normal(k1, (N, IN), dtype=jnp.float32)
    edge_index = jax.random.randint(k2, (2, E), 0, N)
    W = jax.random.normal(k3, (IN, H * D), dtype=jnp.float32) * (1.0 / np.sqrt(IN))
    attn_l = jax.random.normal(k4, (1, H, D), dtype=jnp.float32) * 0.1
    attn_r = jax.random.normal(k5, (1, H, D), dtype=jnp.float32) * 0.1
    bias = jnp.zeros((H * D,), dtype=jnp.float32)
    return {"feat": feat, "edge_index": edge_index, "W": W, "attn_l": attn_l, "attn_r": attn_r, "bias": bias}


def reference(feat, edge_index, W, attn_l, attn_r, bias):
    # DGL GATConv forward followed by flatten(-2, -1) of the head dimension.
    src = edge_index[0]
    dst = edge_index[1]
    # linear projection, split into heads
    h = (feat @ W).reshape(N, H, D)
    # per-node attention logits (a_l . h_src, a_r . h_dst)
    el = jnp.sum(h * attn_l, axis=-1)  # [N, H]
    er = jnp.sum(h * attn_r, axis=-1)  # [N, H]
    # edge attention logits with LeakyReLU (negative_slope=0.2, DGL default)
    e = jax.nn.leaky_relu(el[src] + er[dst], negative_slope=0.2)  # [E, H]
    # edge softmax normalized per destination node
    m = jax.ops.segment_max(e, dst, num_segments=N)  # [N, H]
    ex = jnp.exp(e - m[dst])
    denom = jax.ops.segment_sum(ex, dst, num_segments=N)  # [N, H]
    alpha = ex / denom[dst]  # [E, H]
    # weighted message aggregation (scatter-add into dst)
    msgs = alpha[:, :, None] * h[src]  # [E, H, D]
    out = jax.ops.segment_sum(msgs, dst, num_segments=N)  # [N, H, D]
    out = out + bias.reshape(1, H, D)
    # wrapper: flatten heads
    return out.reshape(N, H * D)

if __name__ == "__main__":
    import jax
    _d = setup_inputs()
    print(jax.jit(kernel)(*tuple(_d.values())))

</pallas_src>

<mosaic_0001>
#map = affine_map<(d0, d1) -> (0, 0)>
#map1 = affine_map<(d0, d1) -> (0)>
#map2 = affine_map<(d0, d1) -> (0, 0, 0)>
module attributes {stable_mosaic.version = 14 : i64} {
  func.func @_edge_body(%arg0: i32, %arg1: i32, %arg2: memref<10000x128xf32, #tpu.memory_space<hbm>>, %arg3: memref<10000x16xf32, #tpu.memory_space<hbm>>, %arg4: memref<10000x16xf32, #tpu.memory_space<hbm>>, %arg5: memref<320000xi32, #tpu.memory_space<hbm>>, %arg6: memref<320000xi32, #tpu.memory_space<hbm>>, %arg7: memref<10000x128xf32, #tpu.memory_space<hbm>>, %arg8: memref<10000x16xf32, #tpu.memory_space<hbm>>, %arg9: memref<2x10000x128xf32, #tpu.memory_space<hbm>>, %arg10: memref<2x10000x16xf32, #tpu.memory_space<hbm>>, %arg11: memref<10000x128xf32, #tpu.memory_space<vmem_shared>>, %arg12: memref<10000x16xf32, #tpu.memory_space<vmem_shared>>, %arg13: memref<10000xi32, #tpu.memory_space<vmem>>, %arg14: memref<10000xi32, #tpu.memory_space<vmem>>, %arg15: memref<40x16xf32, #tpu.memory_space<vmem>>, %arg16: memref<40x16xf32, #tpu.memory_space<vmem>>, %arg17: memref<40x128xf32, #tpu.memory_space<vmem>>, %arg18: memref<40xi32, #tpu.memory_space<vmem>>, %arg19: memref<40xi32, #tpu.memory_space<vmem>>, %arg20: memref<!tpu.dma_semaphore, #tpu.memory_space<semaphore_mem>>, %arg21: memref<!tpu.dma_semaphore, #tpu.memory_space<semaphore_mem>>, %arg22: memref<40x16xf32, #tpu.memory_space<vmem>>, %arg23: memref<40x16xf32, #tpu.memory_space<vmem>>, %arg24: memref<40x128xf32, #tpu.memory_space<vmem>>, %arg25: memref<40xi32, #tpu.memory_space<vmem>>, %arg26: memref<40xi32, #tpu.memory_space<vmem>>, %arg27: memref<!tpu.dma_semaphore, #tpu.memory_space<semaphore_mem>>, %arg28: memref<!tpu.dma_semaphore, #tpu.memory_space<semaphore_mem>>) attributes {dimension_semantics = [#tpu.dimension_semantics<core_parallel>, #tpu.dimension_semantics<subcore_parallel>], iteration_bounds = array<i64: 2, 16>, scalar_prefetch = 0 : i64, scratch_operands = 18 : i64, tpu.core_type = #tpu.core_type<sc_vector_subcore>, window_params = [{transform_indices = #map}, {transform_indices = #map}, {transform_indices = #map}, {transform_indices = #map1}, {transform_indices = #map1}, {transform_indices = #map}, {transform_indices = #map}, {transform_indices = #map2}, {transform_indices = #map2}]} {
    %mul3A = arith.constant 16 : i32
    %mul3A_0 = arith.muli %arg0, %mul3A : i32
    %add3A = arith.addi %mul3A_0, %arg1 : i32
    %mul3A_1 = arith.constant 624 : i32
    %mul3A_2 = arith.muli %arg1, %mul3A_1 : i32
    %multiple_of3A = tpu.assume_multiple %mul3A_2, 8 : i32
    "tpu.region"() ({
      %run_scoped3A = tpu.sem_alloc : memref<!tpu.dma_semaphore, #tpu.memory_space<semaphore_mem>>
      %dma_start3A_85 = arith.constant 0 : i32
      %dma_start3A_86 = tpu.memref_slice %arg11[%multiple_of3A, %dma_start3A_85] : memref<10000x128xf32, #tpu.memory_space<vmem_shared>> -> memref<624x128xf32, #tpu.memory_space<vmem_shared>>
      %dma_start3A_87 = arith.constant 0 : i32
      %dma_start3A_88 = tpu.memref_slice %arg7[%multiple_of3A, %dma_start3A_87] : memref<10000x128xf32, #tpu.memory_space<hbm>> -> memref<624x128xf32, #tpu.memory_space<hbm>>
      tpu.enqueue_dma source(%dma_start3A_88 : memref<624x128xf32, #tpu.memory_space<hbm>>) target(%dma_start3A_86 : memref<624x128xf32, #tpu.memory_space<vmem_shared>>) target_semaphore(%run_scoped3A : memref<!tpu.dma_semaphore, #tpu.memory_space<semaphore_mem>>)
      %dma_wait3A_89 = arith.constant 0 : i32
      %dma_wait3A_90 = tpu.memref_slice %arg11[%multiple_of3A, %dma_wait3A_89] : memref<10000x128xf32, #tpu.memory_space<vmem_shared>> -> memref<624x128xf32, #tpu.memory_space<vmem_shared>>
      %dma_wait3A_91 = arith.constant 0 : i32
      %dma_wait3A_92 = tpu.memref_slice %arg7[%multiple_of3A, %dma_wait3A_91] : memref<10000x128xf32, #tpu.memory_space<hbm>> -> memref<624x128xf32, #tpu.memory_space<hbm>>
      tpu.wait_dma2 semaphore(%run_scoped3A : memref<!tpu.dma_semaphore, #tpu.memory_space<semaphore_mem>>) src(%dma_wait3A_92 : memref<624x128xf32, #tpu.memory_space<hbm>>) dst(%dma_wait3A_90 : memref<624x128xf32, #tpu.memory_space<vmem_shared>>)
      tpu.yield
    }) : () -> ()
    "tpu.region"() ({
      %run_scoped3A = tpu.sem_alloc : memref<!tpu.dma_semaphore, #tpu.memory_space<semaphore_mem>>
      %dma_start3A_85 = arith.constant 0 : i32
      %dma_start3A_86 = tpu.memref_slice %arg12[%multiple_of3A, %dma_start3A_85] : memref<10000x16xf32, #tpu.memory_space<vmem_shared>> -> memref<624x16xf32, #tpu.memory_space<vmem_shared>>
      %dma_start3A_87 = arith.constant 0 : i32
      %dma_start3A_88 = tpu.memref_slice %arg8[%multiple_of3A, %dma_start3A_87] : memref<10000x16xf32, #tpu.memory_space<hbm>> -> memref<624x16xf32, #tpu.memory_space<hbm>>
      tpu.enqueue_dma source(%dma_start3A_88 : memref<624x16xf32, #tpu.memory_space<hbm>>) target(%dma_start3A_86 : memref<624x16xf32, #tpu.memory_space<vmem_shared>>) target_semaphore(%run_scoped3A : memref<!tpu.dma_semaphore, #tpu.memory_space<semaphore_mem>>)
      %dma_wait3A_89 = arith.constant 0 : i32
      %dma_wait3A_90 = tpu.memref_slice %arg12[%multiple_of3A, %dma_wait3A_89] : memref<10000x16xf32, #tpu.memory_space<vmem_shared>> -> memref<624x16xf32, #tpu.memory_space<vmem_shared>>
      %dma_wait3A_91 = arith.constant 0 : i32
      %dma_wait3A_92 = tpu.memref_slice %arg8[%multiple_of3A, %dma_wait3A_91] : memref<10000x16xf32, #tpu.memory_space<hbm>> -> memref<624x16xf32, #tpu.memory_space<hbm>>
      tpu.wait_dma2 semaphore(%run_scoped3A : memref<!tpu.dma_semaphore, #tpu.memory_space<semaphore_mem>>) src(%dma_wait3A_92 : memref<624x16xf32, #tpu.memory_space<hbm>>) dst(%dma_wait3A_90 : memref<624x16xf32, #tpu.memory_space<vmem_shared>>)
      tpu.yield
    }) : () -> ()
    %eq3A = arith.constant 15 : i32
    %eq3A_3 = arith.cmpi eq, %arg1, %eq3A : i32
    %convert_element_type3A = arith.extui %eq3A_3 : i1 to i32
    %cond3A = arith.constant 0 : i32
    %cond3A_4 = arith.cmpi ne, %convert_element_type3A, %cond3A : i32
    scf.if %cond3A_4 {
      "tpu.region"() ({
        %run_scoped3A = tpu.sem_alloc : memref<!tpu.dma_semaphore, #tpu.memory_space<semaphore_mem>>
        %dma_start3A_85 = arith.constant 9984 : i32
        %dma_start3A_86 = arith.constant 0 : i32
        %dma_start3A_87 = tpu.memref_slice %arg11[%dma_start3A_85, %dma_start3A_86] : memref<10000x128xf32, #tpu.memory_space<vmem_shared>> -> memref<16x128xf32, #tpu.memory_space<vmem_shared>>
        %dma_start3A_88 = arith.constant 9984 : i32
        %dma_start3A_89 = arith.constant 0 : i32
        %dma_start3A_90 = tpu.memref_slice %arg7[%dma_start3A_88, %dma_start3A_89] : memref<10000x128xf32, #tpu.memory_space<hbm>> -> memref<16x128xf32, #tpu.memory_space<hbm>>
        tpu.enqueue_dma source(%dma_start3A_90 : memref<16x128xf32, #tpu.memory_space<hbm>>) target(%dma_start3A_87 : memref<16x128xf32, #tpu.memory_space<vmem_shared>>) target_semaphore(%run_scoped3A : memref<!tpu.dma_semaphore, #tpu.memory_space<semaphore_mem>>)
        %dma_wait3A_91 = arith.constant 9984 : i32
        %dma_wait3A_92 = arith.constant 0 : i32
        %dma_wait3A_93 = tpu.memref_slice %arg11[%dma_wait3A_91, %dma_wait3A_92] : memref<10000x128xf32, #tpu.memory_space<vmem_shared>> -> memref<16x128xf32, #tpu.memory_space<vmem_shared>>
        %dma_wait3A_94 = arith.constant 9984 : i32
        %dma_wait3A_95 = arith.constant 0 : i32
        %dma_wait3A_96 = tpu.memref_slice %arg7[%dma_wait3A_94, %dma_wait3A_95] : memref<10000x128xf32, #tpu.memory_space<hbm>> -> memref<16x128xf32, #tpu.memory_space<hbm>>
        tpu.wait_dma2 semaphore(%run_scoped3A : memref<!tpu.dma_semaphore, #tpu.memory_space<semaphore_mem>>) src(%dma_wait3A_96 : memref<16x128xf32, #tpu.memory_space<hbm>>) dst(%dma_wait3A_93 : memref<16x128xf32, #tpu.memory_space<vmem_shared>>)
        tpu.yield
      }) : () -> ()
      "tpu.region"() ({
        %run_scoped3A = tpu.sem_alloc : memref<!tpu.dma_semaphore, #tpu.memory_space<semaphore_mem>>
        %dma_start3A_85 = arith.constant 9984 : i32
        %dma_start3A_86 = arith.constant 0 : i32
        %dma_start3A_87 = tpu.memref_slice %arg12[%dma_start3A_85, %dma_start3A_86] : memref<10000x16xf32, #tpu.memory_space<vmem_shared>> -> memref<16x16xf32, #tpu.memory_space<vmem_shared>>
        %dma_start3A_88 = arith.constant 9984 : i32
        %dma_start3A_89 = arith.constant 0 : i32
        %dma_start3A_90 = tpu.memref_slice %arg8[%dma_start3A_88, %dma_start3A_89] : memref<10000x16xf32, #tpu.memory_space<hbm>> -> memref<16x16xf32, #tpu.memory_space<hbm>>
        tpu.enqueue_dma source(%dma_start3A_90 : memref<16x16xf32, #tpu.memory_space<hbm>>) target(%dma_start3A_87 : memref<16x16xf32, #tpu.memory_space<vmem_shared>>) target_semaphore(%run_scoped3A : memref<!tpu.dma_semaphore, #tpu.memory_space<semaphore_mem>>)
        %dma_wait3A_91 = arith.constant 9984 : i32
        %dma_wait3A_92 = arith.constant 0 : i32
        %dma_wait3A_93 = tpu.memref_slice %arg12[%dma_wait3A_91, %dma_wait3A_92] : memref<10000x16xf32, #tpu.memory_space<vmem_shared>> -> memref<16x16xf32, #tpu.memory_space<vmem_shared>>
        %dma_wait3A_94 = arith.constant 9984 : i32
        %dma_wait3A_95 = arith.constant 0 : i32
        %dma_wait3A_96 = tpu.memref_slice %arg8[%dma_wait3A_94, %dma_wait3A_95] : memref<10000x16xf32, #tpu.memory_space<hbm>> -> memref<16x16xf32, #tpu.memory_space<hbm>>
        tpu.wait_dma2 semaphore(%run_scoped3A : memref<!tpu.dma_semaphore, #tpu.memory_space<semaphore_mem>>) src(%dma_wait3A_96 : memref<16x16xf32, #tpu.memory_space<hbm>>) dst(%dma_wait3A_93 : memref<16x16xf32, #tpu.memory_space<vmem_shared>>)
        tpu.yield
      }) : () -> ()
    } else {
    }
    %barrier3A = arith.constant 0 : index
    tpu.barrier barrier_id(%barrier3A)
    %mul3A_5 = arith.constant 10000 : i32
    %mul3A_6 = arith.muli %add3A, %mul3A_5 : i32
    "tpu.region"() ({
      %run_scoped3A = tpu.sem_alloc : memref<!tpu.dma_semaphore, #tpu.memory_space<semaphore_mem>>
      %dma_start3A_85 = tpu.memref_slice %arg5[%mul3A_6] : memref<320000xi32, #tpu.memory_space<hbm>> -> memref<10000xi32, #tpu.memory_space<hbm>>
      %dma_start3A_86 = tpu.memref_slice %arg5[%mul3A_6] : memref<320000xi32, #tpu.memory_space<hbm>> -> memref<10000xi32, #tpu.memory_space<hbm>>
      tpu.enqueue_dma source(%dma_start3A_86 : memref<10000xi32, #tpu.memory_space<hbm>>) target(%arg13 : memref<10000xi32, #tpu.memory_space<vmem>>) target_semaphore(%run_scoped3A : memref<!tpu.dma_semaphore, #tpu.memory_space<semaphore_mem>>)
      %dma_wait3A_87 = tpu.memref_slice %arg5[%mul3A_6] : memref<320000xi32, #tpu.memory_space<hbm>> -> memref<10000xi32, #tpu.memory_space<hbm>>
      %dma_wait3A_88 = tpu.memref_slice %arg5[%mul3A_6] : memref<320000xi32, #tpu.memory_space<hbm>> -> memref<10000xi32, #tpu.memory_space<hbm>>
      tpu.wait_dma2 semaphore(%run_scoped3A : memref<!tpu.dma_semaphore, #tpu.memory_space<semaphore_mem>>) src(%dma_wait3A_88 : memref<10000xi32, #tpu.memory_space<hbm>>) dst(%arg13 : memref<10000xi32, #tpu.memory_space<vmem>>)
      tpu.yield
    }) : () -> ()
    "tpu.region"() ({
      %run_scoped3A = tpu.sem_alloc : memref<!tpu.dma_semaphore, #tpu.memory_space<semaphore_mem>>
      %dma_start3A_85 = tpu.memref_slice %arg6[%mul3A_6] : memref<320000xi32, #tpu.memory_space<hbm>> -> memref<10000xi32, #tpu.memory_space<hbm>>
      %dma_start3A_86 = tpu.memref_slice %arg6[%mul3A_6] : memref<320000xi32, #tpu.memory_space<hbm>> -> memref<10000xi32, #tpu.memory_space<hbm>>
      tpu.enqueue_dma source(%dma_start3A_86 : memref<10000xi32, #tpu.memory_space<hbm>>) target(%arg14 : memref<10000xi32, #tpu.memory_space<vmem>>) target_semaphore(%run_scoped3A : memref<!tpu.dma_semaphore, #tpu.memory_space<semaphore_mem>>)
      %dma_wait3A_87 = tpu.memref_slice %arg6[%mul3A_6] : memref<320000xi32, #tpu.memory_space<hbm>> -> memref<10000xi32, #tpu.memory_space<hbm>>
      %dma_wait3A_88 = tpu.memref_slice %arg6[%mul3A_6] : memref<320000xi32, #tpu.memory_space<hbm>> -> memref<10000xi32, #tpu.memory_space<hbm>>
      tpu.wait_dma2 semaphore(%run_scoped3A : memref<!tpu.dma_semaphore, #tpu.memory_space<semaphore_mem>>) src(%dma_wait3A_88 : memref<10000xi32, #tpu.memory_space<hbm>>) dst(%arg14 : memref<10000xi32, #tpu.memory_space<vmem>>)
      tpu.yield
    }) : () -> ()
    %multiple_of3A_7 = arith.constant 0 : i32
    %multiple_of3A_8 = tpu.assume_multiple %multiple_of3A_7, 8 : i32
    %add3A_9 = arith.constant 0 : i32
    %add3A_10 = arith.addi %multiple_of3A_8, %add3A_9 : i32
    %get3A = arith.index_cast %add3A_10 : i32 to index
    %get3A_11 = tpu.vector_load %arg13[%get3A] {strides = array<i32>} : memref<10000xi32, #tpu.memory_space<vmem>>, vector<16xi32>,
    %get3A_12 = vector.shape_cast %get3A_11 : vector<16xi32> to vector<16xi32>
    %swap3A = arith.constant 0 : index
    %swap3A_13 = tpu.vector_load %arg18[%swap3A] {strides = array<i32>} : memref<40xi32, #tpu.memory_space<vmem>>, vector<16xi32>,
    %swap3A_14 = vector.shape_cast %swap3A_13 : vector<16xi32> to vector<16xi32>
    %swap3A_15 = vector.shape_cast %get3A_12 : vector<16xi32> to vector<16xi32>
    tpu.vector_store %arg18[%swap3A], %swap3A_15 {strides = array<i32>} : memref<40xi32, #tpu.memory_space<vmem>>, vector<16xi32>,
    %add3A_16 = arith.constant 0 : i32
    %add3A_17 = arith.addi %multiple_of3A_8, %add3A_16 : i32
    %get3A_18 = arith.index_cast %add3A_17 : i32 to index
    %get3A_19 = tpu.vector_load %arg14[%get3A_18] {strides = array<i32>} : memref<10000xi32, #tpu.memory_space<vmem>>, vector<16xi32>,
    %get3A_20 = vector.shape_cast %get3A_19 : vector<16xi32> to vector<16xi32>
    %swap3A_21 = arith.constant 0 : index
    %swap3A_22 = tpu.vector_load %arg19[%swap3A_21] {strides = array<i32>} : memref<40xi32, #tpu.memory_space<vmem>>, vector<16xi32>,
    %swap3A_23 = vector.shape_cast %swap3A_22 : vector<16xi32> to vector<16xi32>
    %swap3A_24 = vector.shape_cast %get3A_20 : vector<16xi32> to vector<16xi32>
    tpu.vector_store %arg19[%swap3A_21], %swap3A_24 {strides = array<i32>} : memref<40xi32, #tpu.memory_space<vmem>>, vector<16xi32>,
    %add3A_25 = arith.constant 16 : i32
    %add3A_26 = arith.addi %multiple_of3A_8, %add3A_25 : i32
    %get3A_27 = arith.index_cast %add3A_26 : i32 to index
    %get3A_28 = tpu.vector_load %arg13[%get3A_27] {strides = array<i32>} : memref<10000xi32, #tpu.memory_space<vmem>>, vector<16xi32>,
    %get3A_29 = vector.shape_cast %get3A_28 : vector<16xi32> to vector<16xi32>
    %swap3A_30 = arith.constant 16 : index
    %swap3A_31 = tpu.vector_load %arg18[%swap3A_30] {strides = array<i32>} : memref<40xi32, #tpu.memory_space<vmem>>, vector<16xi32>,
    %swap3A_32 = vector.shape_cast %swap3A_31 : vector<16xi32> to vector<16xi32>
    %swap3A_33 = vector.shape_cast %get3A_29 : vector<16xi32> to vector<16xi32>
    tpu.vector_store %arg18[%swap3A_30], %swap3A_33 {strides = array<i32>} : memref<40xi32, #tpu.memory_space<vmem>>, vector<16xi32>,
    %add3A_34 = arith.constant 16 : i32
    %add3A_35 = arith.addi %multiple_of3A_8, %add3A_34 : i32
    %get3A_36 = arith.index_cast %add3A_35 : i32 to index
    %get3A_37 = tpu.vector_load %arg14[%get3A_36] {strides = array<i32>} : memref<10000xi32, #tpu.memory_space<vmem>>, vector<16xi32>,
    %get3A_38 = vector.shape_cast %get3A_37 : vector<16xi32> to vector<16xi32>
    %swap3A_39 = arith.constant 16 : index
    %swap3A_40 = tpu.vector_load %arg19[%swap3A_39] {strides = array<i32>} : memref<40xi32, #tpu.memory_space<vmem>>, vector<16xi32>,
    %swap3A_41 = vector.shape_cast %swap3A_40 : vector<16xi32> to vector<16xi32>
    %swap3A_42 = vector.shape_cast %get3A_38 : vector<16xi32> to vector<16xi32>
    tpu.vector_store %arg19[%swap3A_39], %swap3A_42 {strides = array<i32>} : memref<40xi32, #tpu.memory_space<vmem>>, vector<16xi32>,
    %add3A_43 = arith.constant 24 : i32
    %add3A_44 = arith.addi %multiple_of3A_8, %add3A_43 : i32
    %get3A_45 = arith.index_cast %add3A_44 : i32 to index
    %get3A_46 = tpu.vector_load %arg13[%get3A_45] {strides = array<i32>} : memref<10000xi32, #tpu.memory_space<vmem>>, vector<16xi32>,
    %get3A_47 = vector.shape_cast %get3A_46 : vector<16xi32> to vector<16xi32>
    %swap3A_48 = arith.constant 24 : index
    %swap3A_49 = tpu.vector_load %arg18[%swap3A_48] {strides = array<i32>} : memref<40xi32, #tpu.memory_space<vmem>>, vector<16xi32>,
    %swap3A_50 = vector.shape_cast %swap3A_49 : vector<16xi32> to vector<16xi32>
    %swap3A_51 = vector.shape_cast %get3A_47 : vector<16xi32> to vector<16xi32>
    tpu.vector_store %arg18[%swap3A_48], %swap3A_51 {strides = array<i32>} : memref<40xi32, #tpu.memory_space<vmem>>, vector<16xi32>,
    %add3A_52 = arith.constant 24 : i32
    %add3A_53 = arith.addi %multiple_of3A_8, %add3A_52 : i32
    %get3A_54 = arith.index_cast %add3A_53 : i32 to index
    %get3A_55 = tpu.vector_load %arg14[%get3A_54] {strides = array<i32>} : memref<10000xi32, #tpu.memory_space<vmem>>, vector<16xi32>,
    %get3A_56 = vector.shape_cast %get3A_55 : vector<16xi32> to vector<16xi32>
    %swap3A_57 = arith.constant 24 : index
    %swap3A_58 = tpu.vector_load %arg19[%swap3A_57] {strides = array<i32>} : memref<40xi32, #tpu.memory_space<vmem>>, vector<16xi32>,
    %swap3A_59 = vector.shape_cast %swap3A_58 : vector<16xi32> to vector<16xi32>
    %swap3A_60 = vector.shape_cast %get3A_56 : vector<16xi32> to vector<16xi32>
    tpu.vector_store %arg19[%swap3A_57], %swap3A_60 {strides = array<i32>} : memref<40xi32, #tpu.memory_space<vmem>>, vector<16xi32>,
    %dma_start3A = arith.constant 0 : i32
    %dma_start3A_61 = arith.constant 0 : i32
    %dma_start3A_62 = tpu.memref_slice %arg3[%dma_start3A, %dma_start3A_61] : memref<10000x16xf32, #tpu.memory_space<hbm>> -> memref<10000x16xf32, #tpu.memory_space<hbm>>
    tpu.enqueue_indirect_dma source(%dma_start3A_62 : memref<10000x16xf32, #tpu.memory_space<hbm>>) target(%arg15 : memref<40x16xf32, #tpu.memory_space<vmem>>) offsets(%arg18 : memref<40xi32, #tpu.memory_space<vmem>>) semaphore(%arg20 : memref<!tpu.dma_semaphore, #tpu.memory_space<semaphore_mem>>)
    %dma_start3A_63 = arith.constant 0 : i32
    %dma_start3A_64 = arith.constant 0 : i32
    %dma_start3A_65 = tpu.memref_slice %arg4[%dma_start3A_63, %dma_start3A_64] : memref<10000x16xf32, #tpu.memory_space<hbm>> -> memref<10000x16xf32, #tpu.memory_space<hbm>>
    tpu.enqueue_indirect_dma source(%dma_start3A_65 : memref<10000x16xf32, #tpu.memory_space<hbm>>) target(%arg16 : memref<40x16xf32, #tpu.memory_space<vmem>>) offsets(%arg19 : memref<40xi32, #tpu.memory_space<vmem>>) semaphore(%arg20 : memref<!tpu.dma_semaphore, #tpu.memory_space<semaphore_mem>>)
    %dma_start3A_66 = arith.constant 0 : i32
    %dma_start3A_67 = arith.constant 0 : i32
    %dma_start3A_68 = tpu.memref_slice %arg2[%dma_start3A_66, %dma_start3A_67] : memref<10000x128xf32, #tpu.memory_space<hbm>> -> memref<10000x128xf32, #tpu.memory_space<hbm>>
    tpu.enqueue_indirect_dma source(%dma_start3A_68 : memref<10000x128xf32, #tpu.memory_space<hbm>>) target(%arg17 : memref<40x128xf32, #tpu.memory_space<vmem>>) offsets(%arg18 : memref<40xi32, #tpu.memory_space<vmem>>) semaphore(%arg20 : memref<!tpu.dma_semaphore, #tpu.memory_space<semaphore_mem>>)
    %scan3A = arith.constant 0 : i32
    %scan3A_69 = arith.constant 0 : i32
    %scan3A_70 = arith.constant 125 : i32
    %scan3A_71 = arith.addi %scan3A_69, %scan3A_70 : i32
    %scan3A_72 = arith.constant 1 : i32
    scf.for %scan3A_85 = %scan3A_69 to %scan3A_71 step %scan3A_72  : i32 {
      %gt3A = arith.constant 0 : i32
      %gt3A_86 = arith.cmpi sgt, %scan3A_85, %gt3A : i32
      %convert_element_type3A_87 = arith.extui %gt3A_86 : i1 to i32
      %cond3A_88 = arith.constant 0 : i32
      %cond3A_89 = arith.cmpi ne, %convert_element_type3A_87, %cond3A_88 : i32
      scf.if %cond3A_89 {
        %dma_wait3A_216 = arith.constant 0 : i32
        %dma_wait3A_217 = arith.constant 0 : i32
        %dma_wait3A_218 = tpu.memref_slice %arg11[%dma_wait3A_216, %dma_wait3A_217] : memref<10000x128xf32, #tpu.memory_space<vmem_shared>> -> memref<10000x128xf32, #tpu.memory_space<vmem_shared>>
        tpu.wait_indirect_dma semaphore(%arg28 : memref<!tpu.dma_semaphore, #tpu.memory_space<semaphore_mem>>) src(%arg24 : memref<40x128xf32, #tpu.memory_space<vmem>>) dst(%dma_wait3A_218 : memref<10000x128xf32, #tpu.memory_space<vmem_shared>>)
        %dma_wait3A_219 = arith.constant 0 : i32
        %dma_wait3A_220 = arith.constant 0 : i32
        %dma_wait3A_221 = tpu.memref_slice %arg12[%dma_wait3A_219, %dma_wait3A_220] : memref<10000x16xf32, #tpu.memory_space<vmem_shared>> -> memref<10000x16xf32, #tpu.memory_space<vmem_shared>>
        tpu.wait_indirect_dma semaphore(%arg28 : memref<!tpu.dma_semaphore, #tpu.memory_space<semaphore_mem>>) src(%arg22 : memref<40x16xf32, #tpu.memory_space<vmem>>) dst(%dma_wait3A_221 : memref<10000x16xf32, #tpu.memory_space<vmem_shared>>)
      } else {
      }
      %mul3A_90 = arith.constant 2 : i32
      %mul3A_91 = arith.muli %mul3A_90, %scan3A_85 : i32
      %add3A_92 = arith.constant 1 : i32
      %add3A_93 = arith.addi %mul3A_91, %add3A_92 : i32
      %mul3A_94 = arith.constant 40 : i32
      %mul3A_95 = arith.muli %add3A_93, %mul3A_94 : i32
      %multiple_of3A_96 = tpu.assume_multiple %mul3A_95, 8 : i32
      %add3A_97 = arith.constant 0 : i32
      %add3A_98 = arith.addi %multiple_of3A_96, %add3A_97 : i32
      %get3A_99 = arith.index_cast %add3A_98 : i32 to index
      %get3A_100 = tpu.vector_load %arg13[%get3A_99] {strides = array<i32>} : memref<10000xi32, #tpu.memory_space<vmem>>, vector<16xi32>,
      %get3A_101 = vector.shape_cast %get3A_100 : vector<16xi32> to vector<16xi32>
      %swap3A_102 = arith.constant 0 : index
      %swap3A_103 = tpu.vector_load %arg25[%swap3A_102] {strides = array<i32>} : memref<40xi32, #tpu.memory_space<vmem>>, vector<16xi32>,
      %swap3A_104 = vector.shape_cast %swap3A_103 : vector<16xi32> to vector<16xi32>
      %swap3A_105 = vector.shape_cast %get3A_101 : vector<16xi32> to vector<16xi32>
      tpu.vector_store %arg25[%swap3A_102], %swap3A_105 {strides = array<i32>} : memref<40xi32, #tpu.memory_space<vmem>>, vector<16xi32>,
      %add3A_106 = arith.constant 0 : i32
      %add3A_107 = arith.addi %multiple_of3A_96, %add3A_106 : i32
      %get3A_108 = arith.index_cast %add3A_107 : i32 to index
      %get3A_109 = tpu.vector_load %arg14[%get3A_108] {strides = array<i32>} : memref<10000xi32, #tpu.memory_space<vmem>>, vector<16xi32>,
      %get3A_110 = vector.shape_cast %get3A_109 : vector<16xi32> to vector<16xi32>
      %swap3A_111 = arith.constant 0 : index
      %swap3A_112 = tpu.vector_load %arg26[%swap3A_111] {strides = array<i32>} : memref<40xi32, #tpu.memory_space<vmem>>, vector<16xi32>,
      %swap3A_113 = vector.shape_cast %swap3A_112 : vector<16xi32> to vector<16xi32>
      %swap3A_114 = vector.shape_cast %get3A_110 : vector<16xi32> to vector<16xi32>
      tpu.vector_store %arg26[%swap3A_111], %swap3A_114 {strides = array<i32>} : memref<40xi32, #tpu.memory_space<vmem>>, vector<16xi32>,
      %add3A_115 = arith.constant 16 : i32
      %add3A_116 = arith.addi %multiple_of3A_96, %add3A_115 : i32
      %get3A_117 = arith.index_cast %add3A_116 : i32 to index
      %get3A_118 = tpu.vector_load %arg13[%get3A_117] {strides = array<i32>} : memref<10000xi32, #tpu.memory_space<vmem>>, vector<16xi32>,
      %get3A_119 = vector.shape_cast %get3A_118 : vector<16xi32> to vector<16xi32>
      %swap3A_120 = arith.constant 16 : index
      %swap3A_121 = tpu.vector_load %arg25[%swap3A_120] {strides = array<i32>} : memref<40xi32, #tpu.memory_space<vmem>>, vector<16xi32>,
      %swap3A_122 = vector.shape_cast %swap3A_121 : vector<16xi32> to vector<16xi32>
      %swap3A_123 = vector.shape_cast %get3A_119 : vector<16xi32> to vector<16xi32>
      tpu.vector_store %arg25[%swap3A_120], %swap3A_123 {strides = array<i32>} : memref<40xi32, #tpu.memory_space<vmem>>, vector<16xi32>,
      %add3A_124 = arith.constant 16 : i32
      %add3A_125 = arith.addi %multiple_of3A_96, %add3A_124 : i32
      %get3A_126 = arith.index_cast %add3A_125 : i32 to index
      %get3A_127 = tpu.vector_load %arg14[%get3A_126] {strides = array<i32>} : memref<10000xi32, #tpu.memory_space<vmem>>, vector<16xi32>,
      %get3A_128 = vector.shape_cast %get3A_127 : vector<16xi32> to vector<16xi32>
      %swap3A_129 = arith.constant 16 : index
      %swap3A_130 = tpu.vector_load %arg26[%swap3A_129] {strides = array<i32>} : memref<40xi32, #tpu.memory_space<vmem>>, vector<16xi32>,
      %swap3A_131 = vector.shape_cast %swap3A_130 : vector<16xi32> to vector<16xi32>
      %swap3A_132 = vector.shape_cast %get3A_128 : vector<16xi32> to vector<16xi32>
      tpu.vector_store %arg26[%swap3A_129], %swap3A_132 {strides = array<i32>} : memref<40xi32, #tpu.memory_space<vmem>>, vector<16xi32>,
      %add3A_133 = arith.constant 24 : i32
      %add3A_134 = arith.addi %multiple_of3A_96, %add3A_133 : i32
      %get3A_135 = arith.index_cast %add3A_134 : i32 to index
      %get3A_136 = tpu.vector_load %arg13[%get3A_135] {strides = array<i32>} : memref<10000xi32, #tpu.memory_space<vmem>>, vector<16xi32>,
      %get3A_137 = vector.shape_cast %get3A_136 : vector<16xi32> to vector<16xi32>
      %swap3A_138 = arith.constant 24 : index
      %swap3A_139 = tpu.vector_load %arg25[%swap3A_138] {strides = array<i32>} : memref<40xi32, #tpu.memory_space<vmem>>, vector<16xi32>,
      %swap3A_140 = vector.shape_cast %swap3A_139 : vector<16xi32> to vector<16xi32>
      %swap3A_141 = vector.shape_cast %get3A_137 : vector<16xi32> to vector<16xi32>
      tpu.vector_store %arg25[%swap3A_138], %swap3A_141 {strides = array<i32>} : memref<40xi32, #tpu.memory_space<vmem>>, vector<16xi32>,
      %add3A_142 = arith.constant 24 : i32
      %add3A_143 = arith.addi %multiple_of3A_96, %add3A_142 : i32
      %get3A_144 = arith.index_cast %add3A_143 : i32 to index
      %get3A_145 = tpu.vector_load %arg14[%get3A_144] {strides = array<i32>} : memref<10000xi32, #tpu.memory_space<vmem>>, vector<16xi32>,
      %get3A_146 = vector.shape_cast %get3A_145 : vector<16xi32> to vector<16xi32>
      %swap3A_147 = arith.constant 24 : index
      %swap3A_148 = tpu.vector_load %arg26[%swap3A_147] {strides = array<i32>} : memref<40xi32, #tpu.memory_space<vmem>>, vector<16xi32>,
      %swap3A_149 = vector.shape_cast %swap3A_148 : vector<16xi32> to vector<16xi32>
      %swap3A_150 = vector.shape_cast %get3A_146 : vector<16xi32> to vector<16xi32>
      tpu.vector_store %arg26[%swap3A_147], %swap3A_150 {strides = array<i32>} : memref<40xi32, #tpu.memory_space<vmem>>, vector<16xi32>,
      %dma_start3A_151 = arith.constant 0 : i32
      %dma_start3A_152 = arith.constant 0 : i32
      %dma_start3A_153 = tpu.memref_slice %arg3[%dma_start3A_151, %dma_start3A_152] : memref<10000x16xf32, #tpu.memory_space<hbm>> -> memref<10000x16xf32, #tpu.memory_space<hbm>>
      tpu.enqueue_indirect_dma source(%dma_start3A_153 : memref<10000x16xf32, #tpu.memory_space<hbm>>) target(%arg22 : memref<40x16xf32, #tpu.memory_space<vmem>>) offsets(%arg25 : memref<40xi32, #tpu.memory_space<vmem>>) semaphore(%arg27 : memref<!tpu.dma_semaphore, #tpu.memory_space<semaphore_mem>>)
      %dma_start3A_154 = arith.constant 0 : i32
      %dma_start3A_155 = arith.constant 0 : i32
      %dma_start3A_156 = tpu.memref_slice %arg4[%dma_start3A_154, %dma_start3A_155] : memref<10000x16xf32, #tpu.memory_space<hbm>> -> memref<10000x16xf32, #tpu.memory_space<hbm>>
      tpu.enqueue_indirect_dma source(%dma_start3A_156 : memref<10000x16xf32, #tpu.memory_space<hbm>>) target(%arg23 : memref<40x16xf32, #tpu.memory_space<vmem>>) offsets(%arg26 : memref<40xi32, #tpu.memory_space<vmem>>) semaphore(%arg27 : memref<!tpu.dma_semaphore, #tpu.memory_space<semaphore_mem>>)
      %dma_start3A_157 = arith.constant 0 : i32
      %dma_start3A_158 = arith.constant 0 : i32
      %dma_start3A_159 = tpu.memref_slice %arg2[%dma_start3A_157, %dma_start3A_158] : memref<10000x128xf32, #tpu.memory_space<hbm>> -> memref<10000x128xf32, #tpu.memory_space<hbm>>
      tpu.enqueue_indirect_dma source(%dma_start3A_159 : memref<10000x128xf32, #tpu.memory_space<hbm>>) target(%arg24 : memref<40x128xf32, #tpu.memory_space<vmem>>) offsets(%arg25 : memref<40xi32, #tpu.memory_space<vmem>>) semaphore(%arg27 : memref<!tpu.dma_semaphore, #tpu.memory_space<semaphore_mem>>)
      %dma_wait3A_160 = arith.constant 0 : i32
      %dma_wait3A_161 = arith.constant 0 : i32
      %dma_wait3A_162 = tpu.memref_slice %arg3[%dma_wait3A_160, %dma_wait3A_161] : memref<10000x16xf32, #tpu.memory_space<hbm>> -> memref<10000x16xf32, #tpu.memory_space<hbm>>
      tpu.wait_indirect_dma semaphore(%arg20 : memref<!tpu.dma_semaphore, #tpu.memory_space<semaphore_mem>>) src(%dma_wait3A_162 : memref<10000x16xf32, #tpu.memory_space<hbm>>) dst(%arg15 : memref<40x16xf32, #tpu.memory_space<vmem>>)
      %dma_wait3A_163 = arith.constant 0 : i32
      %dma_wait3A_164 = arith.constant 0 : i32
      %dma_wait3A_165 = tpu.memref_slice %arg4[%dma_wait3A_163, %dma_wait3A_164] : memref<10000x16xf32, #tpu.memory_space<hbm>> -> memref<10000x16xf32, #tpu.memory_space<hbm>>
      tpu.wait_indirect_dma semaphore(%arg20 : memref<!tpu.dma_semaphore, #tpu.memory_space<semaphore_mem>>) src(%dma_wait3A_165 : memref<10000x16xf32, #tpu.memory_space<hbm>>) dst(%arg16 : memref<40x16xf32, #tpu.memory_space<vmem>>)
      %dma_wait3A_166 = arith.constant 0 : i32
      %dma_wait3A_167 = arith.constant 0 : i32
      %dma_wait3A_168 = tpu.memref_slice %arg2[%dma_wait3A_166, %dma_wait3A_167] : memref<10000x128xf32, #tpu.memory_space<hbm>> -> memref<10000x128xf32, #tpu.memory_space<hbm>>
      tpu.wait_indirect_dma semaphore(%arg20 : memref<!tpu.dma_semaphore, #tpu.memory_space<semaphore_mem>>) src(%dma_wait3A_168 : memref<10000x128xf32, #tpu.memory_space<hbm>>) dst(%arg17 : memref<40x128xf32, #tpu.memory_space<vmem>>)
      %scan3A_169 = arith.constant 0 : i32
      %scan3A_170 = arith.constant 0 : i32
      %scan3A_171 = arith.constant 40 : i32
      %scan3A_172 = arith.addi %scan3A_170, %scan3A_171 : i32
      %scan3A_173 = arith.constant 2 : i32
      scf.for %scan3A_216 = %scan3A_170 to %scan3A_172 step %scan3A_173  : i32 {
        %get3A_217 = arith.index_cast %scan3A_216 : i32 to index
        %get3A_218 = arith.constant 0 : index
        %get3A_219 = tpu.vector_load %arg15[%get3A_217, %get3A_218] {strides = array<i32>} : memref<40x16xf32, #tpu.memory_space<vmem>>, vector<1x16xf32>,
        %get3A_220 = vector.shape_cast %get3A_219 : vector<1x16xf32> to vector<16xf32>
        %get3A_221 = arith.index_cast %scan3A_216 : i32 to index
        %get3A_222 = arith.constant 0 : index
        %get3A_223 = tpu.vector_load %arg16[%get3A_221, %get3A_222] {strides = array<i32>} : memref<40x16xf32, #tpu.memory_space<vmem>>, vector<1x16xf32>,
        %get3A_224 = vector.shape_cast %get3A_223 : vector<1x16xf32> to vector<16xf32>
        %add3A_225 = arith.addf %get3A_220, %get3A_224 : vector<16xf32>
        %mul3A_226 = arith.constant 2.000000e-01 : f32
        %mul3A_227 = vector.broadcast %mul3A_226 : f32 to vector<16xf32>
        %mul3A_228 = arith.mulf %mul3A_227, %add3A_225 : vector<16xf32>
        %max3A = arith.maximumf %add3A_225, %mul3A_228 : vector<16xf32>
        %exp3A = math.exp %max3A : vector<16xf32>
        %swap3A_229 = arith.index_cast %scan3A_216 : i32 to index
        %swap3A_230 = arith.constant 0 : index
        %swap3A_231 = tpu.vector_load %arg15[%swap3A_229, %swap3A_230] {strides = array<i32>} : memref<40x16xf32, #tpu.memory_space<vmem>>, vector<1x16xf32>,
        %swap3A_232 = vector.shape_cast %swap3A_231 : vector<1x16xf32> to vector<16xf32>
        %swap3A_233 = vector.shape_cast %exp3A : vector<16xf32> to vector<1x16xf32>
        tpu.vector_store %arg15[%swap3A_229, %swap3A_230], %swap3A_233 {strides = array<i32>} : memref<40x16xf32, #tpu.memory_space<vmem>>, vector<1x16xf32>,
        %slice3A = vector.extract_strided_slice %exp3A {offsets = [0], sizes = [1], strides = [1]} : vector<16xf32> to vector<1xf32>
        %squeeze3A = vector.extract %slice3A[0] : f32 from vector<1xf32>
        %get3A_234 = arith.index_cast %scan3A_216 : i32 to index
        %get3A_235 = arith.constant 0 : index
        %get3A_236 = tpu.vector_load %arg17[%get3A_234, %get3A_235] {strides = array<i32>} : memref<40x128xf32, #tpu.memory_space<vmem>>, vector<1x16xf32>,
        %get3A_237 = vector.shape_cast %get3A_236 : vector<1x16xf32> to vector<16xf32>
        %mul3A_238 = vector.broadcast %squeeze3A : f32 to vector<16xf32>
        %mul3A_239 = arith.mulf %get3A_237, %mul3A_238 : vector<16xf32>
        %swap3A_240 = arith.index_cast %scan3A_216 : i32 to index
        %swap3A_241 = arith.constant 0 : index
        %swap3A_242 = tpu.vector_load %arg17[%swap3A_240, %swap3A_241] {strides = array<i32>} : memref<40x128xf32, #tpu.memory_space<vmem>>, vector<1x16xf32>,
        %swap3A_243 = vector.shape_cast %swap3A_242 : vector<1x16xf32> to vector<16xf32>
        %swap3A_244 = vector.shape_cast %mul3A_239 : vector<16xf32> to vector<1x16xf32>
        tpu.vector_store %arg17[%swap3A_240, %swap3A_241], %swap3A_244 {strides = array<i32>} : memref<40x128xf32, #tpu.memory_space<vmem>>, vector<1x16xf32>,
        %get3A_245 = arith.index_cast %scan3A_216 : i32 to index
        %get3A_246 = arith.constant 16 : index
        %get3A_247 = tpu.vector_load %arg17[%get3A_245, %get3A_246] {strides = array<i32>} : memref<40x128xf32, #tpu.memory_space<vmem>>, vector<1x16xf32>,
        %get3A_248 = vector.shape_cast %get3A_247 : vector<1x16xf32> to vector<16xf32>
        %mul3A_249 = vector.broadcast %squeeze3A : f32 to vector<16xf32>
        %mul3A_250 = arith.mulf %get3A_248, %mul3A_249 : vector<16xf32>
        %swap3A_251 = arith.index_cast %scan3A_216 : i32 to index
        %swap3A_252 = arith.constant 16 : index
        %swap3A_253 = tpu.vector_load %arg17[%swap3A_251, %swap3A_252] {strides = array<i32>} : memref<40x128xf32, #tpu.memory_space<vmem>>, vector<1x16xf32>,
        %swap3A_254 = vector.shape_cast %swap3A_253 : vector<1x16xf32> to vector<16xf32>
        %swap3A_255 = vector.shape_cast %mul3A_250 : vector<16xf32> to vector<1x16xf32>
        tpu.vector_store %arg17[%swap3A_251, %swap3A_252], %swap3A_255 {strides = array<i32>} : memref<40x128xf32, #tpu.memory_space<vmem>>, vector<1x16xf32>,
        %slice3A_256 = vector.extract_strided_slice %exp3A {offsets = [1], sizes = [1], strides = [1]} : vector<16xf32> to vector<1xf32>
        %squeeze3A_257 = vector.extract %slice3A_256[0] : f32 from vector<1xf32>
        %get3A_258 = arith.index_cast %scan3A_216 : i32 to index
        %get3A_259 = arith.constant 32 : index
        %get3A_260 = tpu.vector_load %arg17[%get3A_258, %get3A_259] {strides = array<i32>} : memref<40x128xf32, #tpu.memory_space<vmem>>, vector<1x16xf32>,
        %get3A_261 = vector.shape_cast %get3A_260 : vector<1x16xf32> to vector<16xf32>
        %mul3A_262 = vector.broadcast %squeeze3A_257 : f32 to vector<16xf32>
        %mul3A_263 = arith.mulf %get3A_261, %mul3A_262 : vector<16xf32>
        %swap3A_264 = arith.index_cast %scan3A_216 : i32 to index
        %swap3A_265 = arith.constant 32 : index
        %swap3A_266 = tpu.vector_load %arg17[%swap3A_264, %swap3A_265] {strides = array<i32>} : memref<40x128xf32, #tpu.memory_space<vmem>>, vector<1x16xf32>,
        %swap3A_267 = vector.shape_cast %swap3A_266 : vector<1x16xf32> to vector<16xf32>
        %swap3A_268 = vector.shape_cast %mul3A_263 : vector<16xf32> to vector<1x16xf32>
        tpu.vector_store %arg17[%swap3A_264, %swap3A_265], %swap3A_268 {strides = array<i32>} : memref<40x128xf32, #tpu.memory_space<vmem>>, vector<1x16xf32>,
        %get3A_269 = arith.index_cast %scan3A_216 : i32 to index
        %get3A_270 = arith.constant 48 : index
        %get3A_271 = tpu.vector_load %arg17[%get3A_269, %get3A_270] {strides = array<i32>} : memref<40x128xf32, #tpu.memory_space<vmem>>, vector<1x16xf32>,
        %get3A_272 = vector.shape_cast %get3A_271 : vector<1x16xf32> to vector<16xf32>
        %mul3A_273 = vector.broadcast %squeeze3A_257 : f32 to vector<16xf32>
        %mul3A_274 = arith.mulf %get3A_272, %mul3A_273 : vector<16xf32>
        %swap3A_275 = arith.index_cast %scan3A_216 : i32 to index
        %swap3A_276 = arith.constant 48 : index
        %swap3A_277 = tpu.vector_load %arg17[%swap3A_275, %swap3A_276] {strides = array<i32>} : memref<40x128xf32, #tpu.memory_space<vmem>>, vector<1x16xf32>,
        %swap3A_278 = vector.shape_cast %swap3A_277 : vector<1x16xf32> to vector<16xf32>
        %swap3A_279 = vector.shape_cast %mul3A_274 : vector<16xf32> to vector<1x16xf32>
        tpu.vector_store %arg17[%swap3A_275, %swap3A_276], %swap3A_279 {strides = array<i32>} : memref<40x128xf32, #tpu.memory_space<vmem>>, vector<1x16xf32>,
        %slice3A_280 = vector.extract_strided_slice %exp3A {offsets = [2], sizes = [1], strides = [1]} : vector<16xf32> to vector<1xf32>
        %squeeze3A_281 = vector.extract %slice3A_280[0] : f32 from vector<1xf32>
        %get3A_282 = arith.index_cast %scan3A_216 : i32 to index
        %get3A_283 = arith.constant 64 : index
        %get3A_284 = tpu.vector_load %arg17[%get3A_282, %get3A_283] {strides = array<i32>} : memref<40x128xf32, #tpu.memory_space<vmem>>, vector<1x16xf32>,
        %get3A_285 = vector.shape_cast %get3A_284 : vector<1x16xf32> to vector<16xf32>
        %mul3A_286 = vector.broadcast %squeeze3A_281 : f32 to vector<16xf32>
        %mul3A_287 = arith.mulf %get3A_285, %mul3A_286 : vector<16xf32>
        %swap3A_288 = arith.index_cast %scan3A_216 : i32 to index
        %swap3A_289 = arith.constant 64 : index
        %swap3A_290 = tpu.vector_load %arg17[%swap3A_288, %swap3A_289] {strides = array<i32>} : memref<40x128xf32, #tpu.memory_space<vmem>>, vector<1x16xf32>,
        %swap3A_291 = vector.shape_cast %swap3A_290 : vector<1x16xf32> to vector<16xf32>
        %swap3A_292 = vector.shape_cast %mul3A_287 : vector<16xf32> to vector<1x16xf32>
        tpu.vector_store %arg17[%swap3A_288, %swap3A_289], %swap3A_292 {strides = array<i32>} : memref<40x128xf32, #tpu.memory_space<vmem>>, vector<1x16xf32>,
        %get3A_293 = arith.index_cast %scan3A_216 : i32 to index
        %get3A_294 = arith.constant 80 : index
        %get3A_295 = tpu.vector_load %arg17[%get3A_293, %get3A_294] {strides = array<i32>} : memref<40x128xf32, #tpu.memory_space<vmem>>, vector<1x16xf32>,
        %get3A_296 = vector.shape_cast %get3A_295 : vector<1x16xf32> to vector<16xf32>
        %mul3A_297 = vector.broadcast %squeeze3A_281 : f32 to vector<16xf32>
        %mul3A_298 = arith.mulf %get3A_296, %mul3A_297 : vector<16xf32>
        %swap3A_299 = arith.index_cast %scan3A_216 : i32 to index
        %swap3A_300 = arith.constant 80 : index
        %swap3A_301 = tpu.vector_load %arg17[%swap3A_299, %swap3A_300] {strides = array<i32>} : memref<40x128xf32, #tpu.memory_space<vmem>>, vector<1x16xf32>,
        %swap3A_302 = vector.shape_cast %swap3A_301 : vector<1x16xf32> to vector<16xf32>
        %swap3A_303 = vector.shape_cast %mul3A_298 : vector<16xf32> to vector<1x16xf32>
        tpu.vector_store %arg17[%swap3A_299, %swap3A_300], %swap3A_303 {strides = array<i32>} : memref<40x128xf32, #tpu.memory_space<vmem>>, vector<1x16xf32>,
        %slice3A_304 = vector.extract_strided_slice %exp3A {offsets = [3], sizes = [1], strides = [1]} : vector<16xf32> to vector<1xf32>
        %squeeze3A_305 = vector.extract %slice3A_304[0] : f32 from vector<1xf32>
        %get3A_306 = arith.index_cast %scan3A_216 : i32 to index
        %get3A_307 = arith.constant 96 : index
        %get3A_308 = tpu.vector_load %arg17[%get3A_306, %get3A_307] {strides = array<i32>} : memref<40x128xf32, #tpu.memory_space<vmem>>, vector<1x16xf32>,
        %get3A_309 = vector.shape_cast %get3A_308 : vector<1x16xf32> to vector<16xf32>
        %mul3A_310 = vector.broadcast %squeeze3A_305 : f32 to vector<16xf32>
        %mul3A_311 = arith.mulf %get3A_309, %mul3A_310 : vector<16xf32>
        %swap3A_312 = arith.index_cast %scan3A_216 : i32 to index
        %swap3A_313 = arith.constant 96 : index
        %swap3A_314 = tpu.vector_load %arg17[%swap3A_312, %swap3A_313] {strides = array<i32>} : memref<40x128xf32, #tpu.memory_space<vmem>>, vector<1x16xf32>,
        %swap3A_315 = vector.shape_cast %swap3A_314 : vector<1x16xf32> to vector<16xf32>
        %swap3A_316 = vector.shape_cast %mul3A_311 : vector<16xf32> to vector<1x16xf32>
        tpu.vector_store %arg17[%swap3A_312, %swap3A_313], %swap3A_316 {strides = array<i32>} : memref<40x128xf32, #tpu.memory_space<vmem>>, vector<1x16xf32>,
        %get3A_317 = arith.index_cast %scan3A_216 : i32 to index
        %get3A_318 = arith.constant 112 : index
        %get3A_319 = tpu.vector_load %arg17[%get3A_317, %get3A_318] {strides = array<i32>} : memref<40x128xf32, #tpu.memory_space<vmem>>, vector<1x16xf32>,
        %get3A_320 = vector.shape_cast %get3A_319 : vector<1x16xf32> to vector<16xf32>
        %mul3A_321 = vector.broadcast %squeeze3A_305 : f32 to vector<16xf32>
        %mul3A_322 = arith.mulf %get3A_320, %mul3A_321 : vector<16xf32>
        %swap3A_323 = arith.index_cast %scan3A_216 : i32 to index
        %swap3A_324 = arith.constant 112 : index
        %swap3A_325 = tpu.vector_load %arg17[%swap3A_323, %swap3A_324] {strides = array<i32>} : memref<40x128xf32, #tpu.memory_space<vmem>>, vector<1x16xf32>,
        %swap3A_326 = vector.shape_cast %swap3A_325 : vector<1x16xf32> to vector<16xf32>
        %swap3A_327 = vector.shape_cast %mul3A_322 : vector<16xf32> to vector<1x16xf32>
        tpu.vector_store %arg17[%swap3A_323, %swap3A_324], %swap3A_327 {strides = array<i32>} : memref<40x128xf32, #tpu.memory_space<vmem>>, vector<1x16xf32>,
        %scan3A_328 = arith.constant 1 : i32
        %scan3A_329 = arith.addi %scan3A_216, %scan3A_328 : i32
        %get3A_330 = arith.index_cast %scan3A_329 : i32 to index
        %get3A_331 = arith.constant 0 : index
        %get3A_332 = tpu.vector_load %arg15[%get3A_330, %get3A_331] {strides = array<i32>} : memref<40x16xf32, #tpu.memory_space<vmem>>, vector<1x16xf32>,
        %get3A_333 = vector.shape_cast %get3A_332 : vector<1x16xf32> to vector<16xf32>
        %get3A_334 = arith.index_cast %scan3A_329 : i32 to index
        %get3A_335 = arith.constant 0 : index
        %get3A_336 = tpu.vector_load %arg16[%get3A_334, %get3A_335] {strides = array<i32>} : memref<40x16xf32, #tpu.memory_space<vmem>>, vector<1x16xf32>,
        %get3A_337 = vector.shape_cast %get3A_336 : vector<1x16xf32> to vector<16xf32>
        %add3A_338 = arith.addf %get3A_333, %get3A_337 : vector<16xf32>
        %mul3A_339 = arith.constant 2.000000e-01 : f32
        %mul3A_340 = vector.broadcast %mul3A_339 : f32 to vector<16xf32>
        %mul3A_341 = arith.mulf %mul3A_340, %add3A_338 : vector<16xf32>
        %max3A_342 = arith.maximumf %add3A_338, %mul3A_341 : vector<16xf32>
        %exp3A_343 = math.exp %max3A_342 : vector<16xf32>
        %swap3A_344 = arith.index_cast %scan3A_329 : i32 to index
        %swap3A_345 = arith.constant 0 : index
        %swap3A_346 = tpu.vector_load %arg15[%swap3A_344, %swap3A_345] {strides = array<i32>} : memref<40x16xf32, #tpu.memory_space<vmem>>, vector<1x16xf32>,
        %swap3A_347 = vector.shape_cast %swap3A_346 : vector<1x16xf32> to vector<16xf32>
        %swap3A_348 = vector.shape_cast %exp3A_343 : vector<16xf32> to vector<1x16xf32>
        tpu.vector_store %arg15[%swap3A_344, %swap3A_345], %swap3A_348 {strides = array<i32>} : memref<40x16xf32, #tpu.memory_space<vmem>>, vector<1x16xf32>,
        %slice3A_349 = vector.extract_strided_slice %exp3A_343 {offsets = [0], sizes = [1], strides = [1]} : vector<16xf32> to vector<1xf32>
        %squeeze3A_350 = vector.extract %slice3A_349[0] : f32 from vector<1xf32>
        %get3A_351 = arith.index_cast %scan3A_329 : i32 to index
        %get3A_352 = arith.constant 0 : index
        %get3A_353 = tpu.vector_load %arg17[%get3A_351, %get3A_352] {strides = array<i32>} : memref<40x128xf32, #tpu.memory_space<vmem>>, vector<1x16xf32>,
        %get3A_354 = vector.shape_cast %get3A_353 : vector<1x16xf32> to vector<16xf32>
        %mul3A_355 = vector.broadcast %squeeze3A_350 : f32 to vector<16xf32>
        %mul3A_356 = arith.mulf %get3A_354, %mul3A_355 : vector<16xf32>
        %swap3A_357 = arith.index_cast %scan3A_329 : i32 to index
        %swap3A_358 = arith.constant 0 : index
        %swap3A_359 = tpu.vector_load %arg17[%swap3A_357, %swap3A_358] {strides = array<i32>} : memref<40x128xf32, #tpu.memory_space<vmem>>, vector<1x16xf32>,
        %swap3A_360 = vector.shape_cast %swap3A_359 : vector<1x16xf32> to vector<16xf32>
        %swap3A_361 = vector.shape_cast %mul3A_356 : vector<16xf32> to vector<1x16xf32>
        tpu.vector_store %arg17[%swap3A_357, %swap3A_358], %swap3A_361 {strides = array<i32>} : memref<40x128xf32, #tpu.memory_space<vmem>>, vector<1x16xf32>,
        %get3A_362 = arith.index_cast %scan3A_329 : i32 to index
        %get3A_363 = arith.constant 16 : index
        %get3A_364 = tpu.vector_load %arg17[%get3A_362, %get3A_363] {strides = array<i32>} : memref<40x128xf32, #tpu.memory_space<vmem>>, vector<1x16xf32>,
        %get3A_365 = vector.shape_cast %get3A_364 : vector<1x16xf32> to vector<16xf32>
        %mul3A_366 = vector.broadcast %squeeze3A_350 : f32 to vector<16xf32>
        %mul3A_367 = arith.mulf %get3A_365, %mul3A_366 : vector<16xf32>
        %swap3A_368 = arith.index_cast %scan3A_329 : i32 to index
        %swap3A_369 = arith.constant 16 : index
        %swap3A_370 = tpu.vector_load %arg17[%swap3A_368, %swap3A_369] {strides = array<i32>} : memref<40x128xf32, #tpu.memory_space<vmem>>, vector<1x16xf32>,
        %swap3A_371 = vector.shape_cast %swap3A_370 : vector<1x16xf32> to vector<16xf32>
        %swap3A_372 = vector.shape_cast %mul3A_367 : vector<16xf32> to vector<1x16xf32>
        tpu.vector_store %arg17[%swap3A_368, %swap3A_369], %swap3A_372 {strides = array<i32>} : memref<40x128xf32, #tpu.memory_space<vmem>>, vector<1x16xf32>,
        %slice3A_373 = vector.extract_strided_slice %exp3A_343 {offsets = [1], sizes = [1], strides = [1]} : vector<16xf32> to vector<1xf32>
        %squeeze3A_374 = vector.extract %slice3A_373[0] : f32 from vector<1xf32>
        %get3A_375 = arith.index_cast %scan3A_329 : i32 to index
        %get3A_376 = arith.constant 32 : index
        %get3A_377 = tpu.vector_load %arg17[%get3A_375, %get3A_376] {strides = array<i32>} : memref<40x128xf32, #tpu.memory_space<vmem>>, vector<1x16xf32>,
        %get3A_378 = vector.shape_cast %get3A_377 : vector<1x16xf32> to vector<16xf32>
        %mul3A_379 = vector.broadcast %squeeze3A_374 : f32 to vector<16xf32>
        %mul3A_380 = arith.mulf %get3A_378, %mul3A_379 : vector<16xf32>
        %swap3A_381 = arith.index_cast %scan3A_329 : i32 to index
        %swap3A_382 = arith.constant 32 : index
        %swap3A_383 = tpu.vector_load %arg17[%swap3A_381, %swap3A_382] {strides = array<i32>} : memref<40x128xf32, #tpu.memory_space<vmem>>, vector<1x16xf32>,
        %swap3A_384 = vector.shape_cast %swap3A_383 : vector<1x16xf32> to vector<16xf32>
        %swap3A_385 = vector.shape_cast %mul3A_380 : vector<16xf32> to vector<1x16xf32>
        tpu.vector_store %arg17[%swap3A_381, %swap3A_382], %swap3A_385 {strides = array<i32>} : memref<40x128xf32, #tpu.memory_space<vmem>>, vector<1x16xf32>,
        %get3A_386 = arith.index_cast %scan3A_329 : i32 to index
        %get3A_387 = arith.constant 48 : index
        %get3A_388 = tpu.vector_load %arg17[%get3A_386, %get3A_387] {strides = array<i32>} : memref<40x128xf32, #tpu.memory_space<vmem>>, vector<1x16xf32>,
        %get3A_389 = vector.shape_cast %get3A_388 : vector<1x16xf32> to vector<16xf32>
        %mul3A_390 = vector.broadcast %squeeze3A_374 : f32 to vector<16xf32>
        %mul3A_391 = arith.mulf %get3A_389, %mul3A_390 : vector<16xf32>
        %swap3A_392 = arith.index_cast %scan3A_329 : i32 to index
        %swap3A_393 = arith.constant 48 : index
        %swap3A_394 = tpu.vector_load %arg17[%swap3A_392, %swap3A_393] {strides = array<i32>} : memref<40x128xf32, #tpu.memory_space<vmem>>, vector<1x16xf32>,
        %swap3A_395 = vector.shape_cast %swap3A_394 : vector<1x16xf32> to vector<16xf32>
        %swap3A_396 = vector.shape_cast %mul3A_391 : vector<16xf32> to vector<1x16xf32>
        tpu.vector_store %arg17[%swap3A_392, %swap3A_393], %swap3A_396 {strides = array<i32>} : memref<40x128xf32, #tpu.memory_space<vmem>>, vector<1x16xf32>,
        %slice3A_397 = vector.extract_strided_slice %exp3A_343 {offsets = [2], sizes = [1], strides = [1]} : vector<16xf32> to vector<1xf32>
        %squeeze3A_398 = vector.extract %slice3A_397[0] : f32 from vector<1xf32>
        %get3A_399 = arith.index_cast %scan3A_329 : i32 to index
        %get3A_400 = arith.constant 64 : index
        %get3A_401 = tpu.vector_load %arg17[%get3A_399, %get3A_400] {strides = array<i32>} : memref<40x128xf32, #tpu.memory_space<vmem>>, vector<1x16xf32>,
        %get3A_402 = vector.shape_cast %get3A_401 : vector<1x16xf32> to vector<16xf32>
        %mul3A_403 = vector.broadcast %squeeze3A_398 : f32 to vector<16xf32>
        %mul3A_404 = arith.mulf %get3A_402, %mul3A_403 : vector<16xf32>
        %swap3A_405 = arith.index_cast %scan3A_329 : i32 to index
        %swap3A_406 = arith.constant 64 : index
        %swap3A_407 = tpu.vector_load %arg17[%swap3A_405, %swap3A_406] {strides = array<i32>} : memref<40x128xf32, #tpu.memory_space<vmem>>, vector<1x16xf32>,
        %swap3A_408 = vector.shape_cast %swap3A_407 : vector<1x16xf32> to vector<16xf32>
        %swap3A_409 = vector.shape_cast %mul3A_404 : vector<16xf32> to vector<1x16xf32>
        tpu.vector_store %arg17[%swap3A_405, %swap3A_406], %swap3A_409 {strides = array<i32>} : memref<40x128xf32, #tpu.memory_space<vmem>>, vector<1x16xf32>,
        %get3A_410 = arith.index_cast %scan3A_329 : i32 to index
        %get3A_411 = arith.constant 80 : index
        %get3A_412 = tpu.vector_load %arg17[%get3A_410, %get3A_411] {strides = array<i32>} : memref<40x128xf32, #tpu.memory_space<vmem>>, vector<1x16xf32>,
        %get3A_413 = vector.shape_cast %get3A_412 : vector<1x16xf32> to vector<16xf32>
        %mul3A_414 = vector.broadcast %squeeze3A_398 : f32 to vector<16xf32>
        %mul3A_415 = arith.mulf %get3A_413, %mul3A_414 : vector<16xf32>
        %swap3A_416 = arith.index_cast %scan3A_329 : i32 to index
        %swap3A_417 = arith.constant 80 : index
        %swap3A_418 = tpu.vector_load %arg17[%swap3A_416, %swap3A_417] {strides = array<i32>} : memref<40x128xf32, #tpu.memory_space<vmem>>, vector<1x16xf32>,
        %swap3A_419 = vector.shape_cast %swap3A_418 : vector<1x16xf32> to vector<16xf32>
        %swap3A_420 = vector.shape_cast %mul3A_415 : vector<16xf32> to vector<1x16xf32>
        tpu.vector_store %arg17[%swap3A_416, %swap3A_417], %swap3A_420 {strides = array<i32>} : memref<40x128xf32, #tpu.memory_space<vmem>>, vector<1x16xf32>,
        %slice3A_421 = vector.extract_strided_slice %exp3A_343 {offsets = [3], sizes = [1], strides = [1]} : vector<16xf32> to vector<1xf32>
        %squeeze3A_422 = vector.extract %slice3A_421[0] : f32 from vector<1xf32>
        %get3A_423 = arith.index_cast %scan3A_329 : i32 to index
        %get3A_424 = arith.constant 96 : index
        %get3A_425 = tpu.vector_load %arg17[%get3A_423, %get3A_424] {strides = array<i32>} : memref<40x128xf32, #tpu.memory_space<vmem>>, vector<1x16xf32>,
        %get3A_426 = vector.shape_cast %get3A_425 : vector<1x16xf32> to vector<16xf32>
        %mul3A_427 = vector.broadcast %squeeze3A_422 : f32 to vector<16xf32>
        %mul3A_428 = arith.mulf %get3A_426, %mul3A_427 : vector<16xf32>
        %swap3A_429 = arith.index_cast %scan3A_329 : i32 to index
        %swap3A_430 = arith.constant 96 : index
        %swap3A_431 = tpu.vector_load %arg17[%swap3A_429, %swap3A_430] {strides = array<i32>} : memref<40x128xf32, #tpu.memory_space<vmem>>, vector<1x16xf32>,
        %swap3A_432 = vector.shape_cast %swap3A_431 : vector<1x16xf32> to vector<16xf32>
        %swap3A_433 = vector.shape_cast %mul3A_428 : vector<16xf32> to vector<1x16xf32>
        tpu.vector_store %arg17[%swap3A_429, %swap3A_430], %swap3A_433 {strides = array<i32>} : memref<40x128xf32, #tpu.memory_space<vmem>>, vector<1x16xf32>,
        %get3A_434 = arith.index_cast %scan3A_329 : i32 to index
        %get3A_435 = arith.constant 112 : index
        %get3A_436 = tpu.vector_load %arg17[%get3A_434, %get3A_435] {strides = array<i32>} : memref<40x128xf32, #tpu.memory_space<vmem>>, vector<1x16xf32>,
        %get3A_437 = vector.shape_cast %get3A_436 : vector<1x16xf32> to vector<16xf32>
        %mul3A_438 = vector.broadcast %squeeze3A_422 : f32 to vector<16xf32>
        %mul3A_439 = arith.mulf %get3A_437, %mul3A_438 : vector<16xf32>
        %swap3A_440 = arith.index_cast %scan3A_329 : i32 to index
        %swap3A_441 = arith.constant 112 : index
        %swap3A_442 = tpu.vector_load %arg17[%swap3A_440, %swap3A_441] {strides = array<i32>} : memref<40x128xf32, #tpu.memory_space<vmem>>, vector<1x16xf32>,
        %swap3A_443 = vector.shape_cast %swap3A_442 : vector<1x16xf32> to vector<16xf32>
        %swap3A_444 = vector.shape_cast %mul3A_439 : vector<16xf32> to vector<1x16xf32>
        tpu.vector_store %arg17[%swap3A_440, %swap3A_441], %swap3A_444 {strides = array<i32>} : memref<40x128xf32, #tpu.memory_space<vmem>>, vector<1x16xf32>,
      }
      %scan3A_174 = arith.constant 40 : i32
      %dma_start3A_175 = arith.constant 0 : i32
      %dma_start3A_176 = arith.constant 0 : i32
      %dma_start3A_177 = tpu.memref_slice %arg11[%dma_start3A_175, %dma_start3A_176] : memref<10000x128xf32, #tpu.memory_space<vmem_shared>> -> memref<10000x128xf32, #tpu.memory_space<vmem_shared>>
      tpu.enqueue_indirect_dma source(%arg17 : memref<40x128xf32, #tpu.memory_space<vmem>>) target(%dma_start3A_177 : memref<10000x128xf32, #tpu.memory_space<vmem_shared>>) offsets(%arg19 : memref<40xi32, #tpu.memory_space<vmem>>) semaphore(%arg21 : memref<!tpu.dma_semaphore, #tpu.memory_space<semaphore_mem>>) {add = true}
      %dma_start3A_178 = arith.constant 0 : i32
      %dma_start3A_179 = arith.constant 0 : i32
      %dma_start3A_180 = tpu.memref_slice %arg12[%dma_start3A_178, %dma_start3A_179] : memref<10000x16xf32, #tpu.memory_space<vmem_shared>> -> memref<10000x16xf32, #tpu.memory_space<vmem_shared>>
      tpu.enqueue_indirect_dma source(%arg15 : memref<40x16xf32, #tpu.memory_space<vmem>>) target(%dma_start3A_180 : memref<10000x16xf32, #tpu.memory_space<vmem_shared>>) offsets(%arg19 : memref<40xi32, #tpu.memory_space<vmem>>) semaphore(%arg21 : memref<!tpu.dma_semaphore, #tpu.memory_space<semaphore_mem>>) {add = true}
      %dma_wait3A_181 = arith.constant 0 : i32
      %dma_wait3A_182 = arith.constant 0 : i32
      %dma_wait3A_183 = tpu.memref_slice %arg11[%dma_wait3A_181, %dma_wait3A_182] : memref<10000x128xf32, #tpu.memory_space<vmem_shared>> -> memref<10000x128xf32, #tpu.memory_space<vmem_shared>>
      tpu.wait_indirect_dma semaphore(%arg21 : memref<!tpu.dma_semaphore, #tpu.memory_space<semaphore_mem>>) src(%arg17 : memref<40x128xf32, #tpu.memory_space<vmem>>) dst(%dma_wait3A_183 : memref<10000x128xf32, #tpu.memory_space<vmem_shared>>)
      %dma_wait3A_184 = arith.constant 0 : i32
      %dma_wait3A_185 = arith.constant 0 : i32
      %dma_wait3A_186 = tpu.memref_slice %arg12[%dma_wait3A_184, %dma_wait3A_185] : memref<10000x16xf32, #tpu.memory_space<vmem_shared>> -> memref<10000x16xf32, #tpu.memory_space<vmem_shared>>
      tpu.wait_indirect_dma semaphore(%arg21 : memref<!tpu.dma_semaphore, #tpu.memory_space<semaphore_mem>>) src(%arg15 : memref<40x16xf32, #tpu.memory_space<vmem>>) dst(%dma_wait3A_186 : memref<10000x16xf32, #tpu.memory_space<vmem_shared>>)
      %mul3A_187 = arith.constant 2 : i32
      %mul3A_188 = arith.muli %mul3A_187, %scan3A_85 : i32
      %add3A_189 = arith.constant 2 : i32
      %add3A_190 = arith.addi %mul3A_188, %add3A_189 : i32
      %lt3A = arith.constant 250 : i32
      %lt3A_191 = arith.cmpi slt, %add3A_190, %lt3A : i32
      %convert_element_type3A_192 = arith.extui %lt3A_191 : i1 to i32
      %cond3A_193 = arith.constant 0 : i32
      %cond3A_194 = arith.cmpi ne, %convert_element_type3A_192, %cond3A_193 : i32
      scf.if %cond3A_194 {
        %mul3A_216 = arith.constant 2 : i32
        %mul3A_217 = arith.muli %mul3A_216, %scan3A_85 : i32
        %add3A_218 = arith.constant 2 : i32
        %add3A_219 = arith.addi %mul3A_217, %add3A_218 : i32
        %mul3A_220 = arith.constant 40 : i32
        %mul3A_221 = arith.muli %add3A_219, %mul3A_220 : i32
        %multiple_of3A_222 = tpu.assume_multiple %mul3A_221, 8 : i32
        %add3A_223 = arith.constant 0 : i32
        %add3A_224 = arith.addi %multiple_of3A_222, %add3A_223 : i32
        %get3A_225 = arith.index_cast %add3A_224 : i32 to index
        %get3A_226 = tpu.vector_load %arg13[%get3A_225] {strides = array<i32>} : memref<10000xi32, #tpu.memory_space<vmem>>, vector<16xi32>,
        %get3A_227 = vector.shape_cast %get3A_226 : vector<16xi32> to vector<16xi32>
        %swap3A_228 = arith.constant 0 : index
        %swap3A_229 = tpu.vector_load %arg18[%swap3A_228] {strides = array<i32>} : memref<40xi32, #tpu.memory_space<vmem>>, vector<16xi32>,
        %swap3A_230 = vector.shape_cast %swap3A_229 : vector<16xi32> to vector<16xi32>
        %swap3A_231 = vector.shape_cast %get3A_227 : vector<16xi32> to vector<16xi32>
        tpu.vector_store %arg18[%swap3A_228], %swap3A_231 {strides = array<i32>} : memref<40xi32, #tpu.memory_space<vmem>>, vector<16xi32>,
        %add3A_232 = arith.constant 0 : i32
        %add3A_233 = arith.addi %multiple_of3A_222, %add3A_232 : i32
        %get3A_234 = arith.index_cast %add3A_233 : i32 to index
        %get3A_235 = tpu.vector_load %arg14[%get3A_234] {strides = array<i32>} : memref<10000xi32, #tpu.memory_space<vmem>>, vector<16xi32>,
        %get3A_236 = vector.shape_cast %get3A_235 : vector<16xi32> to vector<16xi32>
        %swap3A_237 = arith.constant 0 : index
        %swap3A_238 = tpu.vector_load %arg19[%swap3A_237] {strides = array<i32>} : memref<40xi32, #tpu.memory_space<vmem>>, vector<16xi32>,
        %swap3A_239 = vector.shape_cast %swap3A_238 : vector<16xi32> to vector<16xi32>
        %swap3A_240 = vector.shape_cast %get3A_236 : vector<16xi32> to vector<16xi32>
        tpu.vector_store %arg19[%swap3A_237], %swap3A_240 {strides = array<i32>} : memref<40xi32, #tpu.memory_space<vmem>>, vector<16xi32>,
        %add3A_241 = arith.constant 16 : i32
        %add3A_242 = arith.addi %multiple_of3A_222, %add3A_241 : i32
        %get3A_243 = arith.index_cast %add3A_242 : i32 to index
        %get3A_244 = tpu.vector_load %arg13[%get3A_243] {strides = array<i32>} : memref<10000xi32, #tpu.memory_space<vmem>>, vector<16xi32>,
        %get3A_245 = vector.shape_cast %get3A_244 : vector<16xi32> to vector<16xi32>
        %swap3A_246 = arith.constant 16 : index
        %swap3A_247 = tpu.vector_load %arg18[%swap3A_246] {strides = array<i32>} : memref<40xi32, #tpu.memory_space<vmem>>, vector<16xi32>,
        %swap3A_248 = vector.shape_cast %swap3A_247 : vector<16xi32> to vector<16xi32>
        %swap3A_249 = vector.shape_cast %get3A_245 : vector<16xi32> to vector<16xi32>
        tpu.vector_store %arg18[%swap3A_246], %swap3A_249 {strides = array<i32>} : memref<40xi32, #tpu.memory_space<vmem>>, vector<16xi32>,
        %add3A_250 = arith.constant 16 : i32
        %add3A_251 = arith.addi %multiple_of3A_222, %add3A_250 : i32
        %get3A_252 = arith.index_cast %add3A_251 : i32 to index
        %get3A_253 = tpu.vector_load %arg14[%get3A_252] {strides = array<i32>} : memref<10000xi32, #tpu.memory_space<vmem>>, vector<16xi32>,
        %get3A_254 = vector.shape_cast %get3A_253 : vector<16xi32> to vector<16xi32>
        %swap3A_255 = arith.constant 16 : index
        %swap3A_256 = tpu.vector_load %arg19[%swap3A_255] {strides = array<i32>} : memref<40xi32, #tpu.memory_space<vmem>>, vector<16xi32>,
        %swap3A_257 = vector.shape_cast %swap3A_256 : vector<16xi32> to vector<16xi32>
        %swap3A_258 = vector.shape_cast %get3A_254 : vector<16xi32> to vector<16xi32>
        tpu.vector_store %arg19[%swap3A_255], %swap3A_258 {strides = array<i32>} : memref<40xi32, #tpu.memory_space<vmem>>, vector<16xi32>,
        %add3A_259 = arith.constant 24 : i32
        %add3A_260 = arith.addi %multiple_of3A_222, %add3A_259 : i32
        %get3A_261 = arith.index_cast %add3A_260 : i32 to index
        %get3A_262 = tpu.vector_load %arg13[%get3A_261] {strides = array<i32>} : memref<10000xi32, #tpu.memory_space<vmem>>, vector<16xi32>,
        %get3A_263 = vector.shape_cast %get3A_262 : vector<16xi32> to vector<16xi32>
        %swap3A_264 = arith.constant 24 : index
        %swap3A_265 = tpu.vector_load %arg18[%swap3A_264] {strides = array<i32>} : memref<40xi32, #tpu.memory_space<vmem>>, vector<16xi32>,
        %swap3A_266 = vector.shape_cast %swap3A_265 : vector<16xi32> to vector<16xi32>
        %swap3A_267 = vector.shape_cast %get3A_263 : vector<16xi32> to vector<16xi32>
        tpu.vector_store %arg18[%swap3A_264], %swap3A_267 {strides = array<i32>} : memref<40xi32, #tpu.memory_space<vmem>>, vector<16xi32>,
        %add3A_268 = arith.constant 24 : i32
        %add3A_269 = arith.addi %multiple_of3A_222, %add3A_268 : i32
        %get3A_270 = arith.index_cast %add3A_269 : i32 to index
        %get3A_271 = tpu.vector_load %arg14[%get3A_270] {strides = array<i32>} : memref<10000xi32, #tpu.memory_space<vmem>>, vector<16xi32>,
        %get3A_272 = vector.shape_cast %get3A_271 : vector<16xi32> to vector<16xi32>
        %swap3A_273 = arith.constant 24 : index
        %swap3A_274 = tpu.vector_load %arg19[%swap3A_273] {strides = array<i32>} : memref<40xi32, #tpu.memory_space<vmem>>, vector<16xi32>,
        %swap3A_275 = vector.shape_cast %swap3A_274 : vector<16xi32> to vector<16xi32>
        %swap3A_276 = vector.shape_cast %get3A_272 : vector<16xi32> to vector<16xi32>
        tpu.vector_store %arg19[%swap3A_273], %swap3A_276 {strides = array<i32>} : memref<40xi32, #tpu.memory_space<vmem>>, vector<16xi32>,
        %dma_start3A_277 = arith.constant 0 : i32
        %dma_start3A_278 = arith.constant 0 : i32
        %dma_start3A_279 = tpu.memref_slice %arg3[%dma_start3A_277, %dma_start3A_278] : memref<10000x16xf32, #tpu.memory_space<hbm>> -> memref<10000x16xf32, #tpu.memory_space<hbm>>
        tpu.enqueue_indirect_dma source(%dma_start3A_279 : memref<10000x16xf32, #tpu.memory_space<hbm>>) target(%arg15 : memref<40x16xf32, #tpu.memory_space<vmem>>) offsets(%arg18 : memref<40xi32, #tpu.memory_space<vmem>>) semaphore(%arg20 : memref<!tpu.dma_semaphore, #tpu.memory_space<semaphore_mem>>)
        %dma_start3A_280 = arith.constant 0 : i32
        %dma_start3A_281 = arith.constant 0 : i32
        %dma_start3A_282 = tpu.memref_slice %arg4[%dma_start3A_280, %dma_start3A_281] : memref<10000x16xf32, #tpu.memory_space<hbm>> -> memref<10000x16xf32, #tpu.memory_space<hbm>>
        tpu.enqueue_indirect_dma source(%dma_start3A_282 : memref<10000x16xf32, #tpu.memory_space<hbm>>) target(%arg16 : memref<40x16xf32, #tpu.memory_space<vmem>>) offsets(%arg19 : memref<40xi32, #tpu.memory_space<vmem>>) semaphore(%arg20 : memref<!tpu.dma_semaphore, #tpu.memory_space<semaphore_mem>>)
        %dma_start3A_283 = arith.constant 0 : i32
        %dma_start3A_284 = arith.constant 0 : i32
        %dma_start3A_285 = tpu.memref_slice %arg2[%dma_start3A_283, %dma_start3A_284] : memref<10000x128xf32, #tpu.memory_space<hbm>> -> memref<10000x128xf32, #tpu.memory_space<hbm>>
        tpu.enqueue_indirect_dma source(%dma_start3A_285 : memref<10000x128xf32, #tpu.memory_space<hbm>>) target(%arg17 : memref<40x128xf32, #tpu.memory_space<vmem>>) offsets(%arg18 : memref<40xi32, #tpu.memory_space<vmem>>) semaphore(%arg20 : memref<!tpu.dma_semaphore, #tpu.memory_space<semaphore_mem>>)
      } else {
      }
      %dma_wait3A_195 = arith.constant 0 : i32
      %dma_wait3A_196 = arith.constant 0 : i32
      %dma_wait3A_197 = tpu.memref_slice %arg3[%dma_wait3A_195, %dma_wait3A_196] : memref<10000x16xf32, #tpu.memory_space<hbm>> -> memref<10000x16xf32, #tpu.memory_space<hbm>>
      tpu.wait_indirect_dma semaphore(%arg27 : memref<!tpu.dma_semaphore, #tpu.memory_space<semaphore_mem>>) src(%dma_wait3A_197 : memref<10000x16xf32, #tpu.memory_space<hbm>>) dst(%arg22 : memref<40x16xf32, #tpu.memory_space<vmem>>)
      %dma_wait3A_198 = arith.constant 0 : i32
      %dma_wait3A_199 = arith.constant 0 : i32
      %dma_wait3A_200 = tpu.memref_slice %arg4[%dma_wait3A_198, %dma_wait3A_199] : memref<10000x16xf32, #tpu.memory_space<hbm>> -> memref<10000x16xf32, #tpu.memory_space<hbm>>
      tpu.wait_indirect_dma semaphore(%arg27 : memref<!tpu.dma_semaphore, #tpu.memory_space<semaphore_mem>>) src(%dma_wait3A_200 : memref<10000x16xf32, #tpu.memory_space<hbm>>) dst(%arg23 : memref<40x16xf32, #tpu.memory_space<vmem>>)
      %dma_wait3A_201 = arith.constant 0 : i32
      %dma_wait3A_202 = arith.constant 0 : i32
      %dma_wait3A_203 = tpu.memref_slice %arg2[%dma_wait3A_201, %dma_wait3A_202] : memref<10000x128xf32, #tpu.memory_space<hbm>> -> memref<10000x128xf32, #tpu.memory_space<hbm>>
      tpu.wait_indirect_dma semaphore(%arg27 : memref<!tpu.dma_semaphore, #tpu.memory_space<semaphore_mem>>) src(%dma_wait3A_203 : memref<10000x128xf32, #tpu.memory_space<hbm>>) dst(%arg24 : memref<40x128xf32, #tpu.memory_space<vmem>>)
      %scan3A_204 = arith.constant 0 : i32
      %scan3A_205 = arith.constant 0 : i32
      %scan3A_206 = arith.constant 40 : i32
      %scan3A_207 = arith.addi %scan3A_205, %scan3A_206 : i32
      %scan3A_208 = arith.constant 2 : i32
      scf.for %scan3A_216 = %scan3A_205 to %scan3A_207 step %scan3A_208  : i32 {
        %get3A_217 = arith.index_cast %scan3A_216 : i32 to index
        %get3A_218 = arith.constant 0 : index
        %get3A_219 = tpu.vector_load %arg22[%get3A_217, %get3A_218] {strides = array<i32>} : memref<40x16xf32, #tpu.memory_space<vmem>>, vector<1x16xf32>,
        %get3A_220 = vector.shape_cast %get3A_219 : vector<1x16xf32> to vector<16xf32>
        %get3A_221 = arith.index_cast %scan3A_216 : i32 to index
        %get3A_222 = arith.constant 0 : index
        %get3A_223 = tpu.vector_load %arg23[%get3A_221, %get3A_222] {strides = array<i32>} : memref<40x16xf32, #tpu.memory_space<vmem>>, vector<1x16xf32>,
        %get3A_224 = vector.shape_cast %get3A_223 : vector<1x16xf32> to vector<16xf32>
        %add3A_225 = arith.addf %get3A_220, %get3A_224 : vector<16xf32>
        %mul3A_226 = arith.constant 2.000000e-01 : f32
        %mul3A_227 = vector.broadcast %mul3A_226 : f32 to vector<16xf32>
        %mul3A_228 = arith.mulf %mul3A_227, %add3A_225 : vector<16xf32>
        %max3A = arith.maximumf %add3A_225, %mul3A_228 : vector<16xf32>
        %exp3A = math.exp %max3A : vector<16xf32>
        %swap3A_229 = arith.index_cast %scan3A_216 : i32 to index
        %swap3A_230 = arith.constant 0 : index
        %swap3A_231 = tpu.vector_load %arg22[%swap3A_229, %swap3A_230] {strides = array<i32>} : memref<40x16xf32, #tpu.memory_space<vmem>>, vector<1x16xf32>,
        %swap3A_232 = vector.shape_cast %swap3A_231 : vector<1x16xf32> to vector<16xf32>
        %swap3A_233 = vector.shape_cast %exp3A : vector<16xf32> to vector<1x16xf32>
        tpu.vector_store %arg22[%swap3A_229, %swap3A_230], %swap3A_233 {strides = array<i32>} : memref<40x16xf32, #tpu.memory_space<vmem>>, vector<1x16xf32>,
        %slice3A = vector.extract_strided_slice %exp3A {offsets = [0], sizes = [1], strides = [1]} : vector<16xf32> to vector<1xf32>
        %squeeze3A = vector.extract %slice3A[0] : f32 from vector<1xf32>
        %get3A_234 = arith.index_cast %scan3A_216 : i32 to index
        %get3A_235 = arith.constant 0 : index
        %get3A_236 = tpu.vector_load %arg24[%get3A_234, %get3A_235] {strides = array<i32>} : memref<40x128xf32, #tpu.memory_space<vmem>>, vector<1x16xf32>,
        %get3A_237 = vector.shape_cast %get3A_236 : vector<1x16xf32> to vector<16xf32>
        %mul3A_238 = vector.broadcast %squeeze3A : f32 to vector<16xf32>
        %mul3A_239 = arith.mulf %get3A_237, %mul3A_238 : vector<16xf32>
        %swap3A_240 = arith.index_cast %scan3A_216 : i32 to index
        %swap3A_241 = arith.constant 0 : index
        %swap3A_242 = tpu.vector_load %arg24[%swap3A_240, %swap3A_241] {strides = array<i32>} : memref<40x128xf32, #tpu.memory_space<vmem>>, vector<1x16xf32>,
        %swap3A_243 = vector.shape_cast %swap3A_242 : vector<1x16xf32> to vector<16xf32>
        %swap3A_244 = vector.shape_cast %mul3A_239 : vector<16xf32> to vector<1x16xf32>
        tpu.vector_store %arg24[%swap3A_240, %swap3A_241], %swap3A_244 {strides = array<i32>} : memref<40x128xf32, #tpu.memory_space<vmem>>, vector<1x16xf32>,
        %get3A_245 = arith.index_cast %scan3A_216 : i32 to index
        %get3A_246 = arith.constant 16 : index
        %get3A_247 = tpu.vector_load %arg24[%get3A_245, %get3A_246] {strides = array<i32>} : memref<40x128xf32, #tpu.memory_space<vmem>>, vector<1x16xf32>,
        %get3A_248 = vector.shape_cast %get3A_247 : vector<1x16xf32> to vector<16xf32>
        %mul3A_249 = vector.broadcast %squeeze3A : f32 to vector<16xf32>
        %mul3A_250 = arith.mulf %get3A_248, %mul3A_249 : vector<16xf32>
        %swap3A_251 = arith.index_cast %scan3A_216 : i32 to index
        %swap3A_252 = arith.constant 16 : index
        %swap3A_253 = tpu.vector_load %arg24[%swap3A_251, %swap3A_252] {strides = array<i32>} : memref<40x128xf32, #tpu.memory_space<vmem>>, vector<1x16xf32>,
        %swap3A_254 = vector.shape_cast %swap3A_253 : vector<1x16xf32> to vector<16xf32>
        %swap3A_255 = vector.shape_cast %mul3A_250 : vector<16xf32> to vector<1x16xf32>
        tpu.vector_store %arg24[%swap3A_251, %swap3A_252], %swap3A_255 {strides = array<i32>} : memref<40x128xf32, #tpu.memory_space<vmem>>, vector<1x16xf32>,
        %slice3A_256 = vector.extract_strided_slice %exp3A {offsets = [1], sizes = [1], strides = [1]} : vector<16xf32> to vector<1xf32>
        %squeeze3A_257 = vector.extract %slice3A_256[0] : f32 from vector<1xf32>
        %get3A_258 = arith.index_cast %scan3A_216 : i32 to index
        %get3A_259 = arith.constant 32 : index
        %get3A_260 = tpu.vector_load %arg24[%get3A_258, %get3A_259] {strides = array<i32>} : memref<40x128xf32, #tpu.memory_space<vmem>>, vector<1x16xf32>,
        %get3A_261 = vector.shape_cast %get3A_260 : vector<1x16xf32> to vector<16xf32>
        %mul3A_262 = vector.broadcast %squeeze3A_257 : f32 to vector<16xf32>
        %mul3A_263 = arith.mulf %get3A_261, %mul3A_262 : vector<16xf32>
        %swap3A_264 = arith.index_cast %scan3A_216 : i32 to index
        %swap3A_265 = arith.constant 32 : index
        %swap3A_266 = tpu.vector_load %arg24[%swap3A_264, %swap3A_265] {strides = array<i32>} : memref<40x128xf32, #tpu.memory_space<vmem>>, vector<1x16xf32>,
        %swap3A_267 = vector.shape_cast %swap3A_266 : vector<1x16xf32> to vector<16xf32>
        %swap3A_268 = vector.shape_cast %mul3A_263 : vector<16xf32> to vector<1x16xf32>
        tpu.vector_store %arg24[%swap3A_264, %swap3A_265], %swap3A_268 {strides = array<i32>} : memref<40x128xf32, #tpu.memory_space<vmem>>, vector<1x16xf32>,
        %get3A_269 = arith.index_cast %scan3A_216 : i32 to index
        %get3A_270 = arith.constant 48 : index
        %get3A_271 = tpu.vector_load %arg24[%get3A_269, %get3A_270] {strides = array<i32>} : memref<40x128xf32, #tpu.memory_space<vmem>>, vector<1x16xf32>,
        %get3A_272 = vector.shape_cast %get3A_271 : vector<1x16xf32> to vector<16xf32>
        %mul3A_273 = vector.broadcast %squeeze3A_257 : f32 to vector<16xf32>
        %mul3A_274 = arith.mulf %get3A_272, %mul3A_273 : vector<16xf32>
        %swap3A_275 = arith.index_cast %scan3A_216 : i32 to index
        %swap3A_276 = arith.constant 48 : index
        %swap3A_277 = tpu.vector_load %arg24[%swap3A_275, %swap3A_276] {strides = array<i32>} : memref<40x128xf32, #tpu.memory_space<vmem>>, vector<1x16xf32>,
        %swap3A_278 = vector.shape_cast %swap3A_277 : vector<1x16xf32> to vector<16xf32>
        %swap3A_279 = vector.shape_cast %mul3A_274 : vector<16xf32> to vector<1x16xf32>
        tpu.vector_store %arg24[%swap3A_275, %swap3A_276], %swap3A_279 {strides = array<i32>} : memref<40x128xf32, #tpu.memory_space<vmem>>, vector<1x16xf32>,
        %slice3A_280 = vector.extract_strided_slice %exp3A {offsets = [2], sizes = [1], strides = [1]} : vector<16xf32> to vector<1xf32>
        %squeeze3A_281 = vector.extract %slice3A_280[0] : f32 from vector<1xf32>
        %get3A_282 = arith.index_cast %scan3A_216 : i32 to index
        %get3A_283 = arith.constant 64 : index
        %get3A_284 = tpu.vector_load %arg24[%get3A_282, %get3A_283] {strides = array<i32>} : memref<40x128xf32, #tpu.memory_space<vmem>>, vector<1x16xf32>,
        %get3A_285 = vector.shape_cast %get3A_284 : vector<1x16xf32> to vector<16xf32>
        %mul3A_286 = vector.broadcast %squeeze3A_281 : f32 to vector<16xf32>
        %mul3A_287 = arith.mulf %get3A_285, %mul3A_286 : vector<16xf32>
        %swap3A_288 = arith.index_cast %scan3A_216 : i32 to index
        %swap3A_289 = arith.constant 64 : index
        %swap3A_290 = tpu.vector_load %arg24[%swap3A_288, %swap3A_289] {strides = array<i32>} : memref<40x128xf32, #tpu.memory_space<vmem>>, vector<1x16xf32>,
        %swap3A_291 = vector.shape_cast %swap3A_290 : vector<1x16xf32> to vector<16xf32>
        %swap3A_292 = vector.shape_cast %mul3A_287 : vector<16xf32> to vector<1x16xf32>
        tpu.vector_store %arg24[%swap3A_288, %swap3A_289], %swap3A_292 {strides = array<i32>} : memref<40x128xf32, #tpu.memory_space<vmem>>, vector<1x16xf32>,
        %get3A_293 = arith.index_cast %scan3A_216 : i32 to index
        %get3A_294 = arith.constant 80 : index
        %get3A_295 = tpu.vector_load %arg24[%get3A_293, %get3A_294] {strides = array<i32>} : memref<40x128xf32, #tpu.memory_space<vmem>>, vector<1x16xf32>,
        %get3A_296 = vector.shape_cast %get3A_295 : vector<1x16xf32> to vector<16xf32>
        %mul3A_297 = vector.broadcast %squeeze3A_281 : f32 to vector<16xf32>
        %mul3A_298 = arith.mulf %get3A_296, %mul3A_297 : vector<16xf32>
        %swap3A_299 = arith.index_cast %scan3A_216 : i32 to index
        %swap3A_300 = arith.constant 80 : index
        %swap3A_301 = tpu.vector_load %arg24[%swap3A_299, %swap3A_300] {strides = array<i32>} : memref<40x128xf32, #tpu.memory_space<vmem>>, vector<1x16xf32>,
        %swap3A_302 = vector.shape_cast %swap3A_301 : vector<1x16xf32> to vector<16xf32>
        %swap3A_303 = vector.shape_cast %mul3A_298 : vector<16xf32> to vector<1x16xf32>
        tpu.vector_store %arg24[%swap3A_299, %swap3A_300], %swap3A_303 {strides = array<i32>} : memref<40x128xf32, #tpu.memory_space<vmem>>, vector<1x16xf32>,
        %slice3A_304 = vector.extract_strided_slice %exp3A {offsets = [3], sizes = [1], strides = [1]} : vector<16xf32> to vector<1xf32>
        %squeeze3A_305 = vector.extract %slice3A_304[0] : f32 from vector<1xf32>
        %get3A_306 = arith.index_cast %scan3A_216 : i32 to index
        %get3A_307 = arith.constant 96 : index
        %get3A_308 = tpu.vector_load %arg24[%get3A_306, %get3A_307] {strides = array<i32>} : memref<40x128xf32, #tpu.memory_space<vmem>>, vector<1x16xf32>,
        %get3A_309 = vector.shape_cast %get3A_308 : vector<1x16xf32> to vector<16xf32>
        %mul3A_310 = vector.broadcast %squeeze3A_305 : f32 to vector<16xf32>
        %mul3A_311 = arith.mulf %get3A_309, %mul3A_310 : vector<16xf32>
        %swap3A_312 = arith.index_cast %scan3A_216 : i32 to index
        %swap3A_313 = arith.constant 96 : index
        %swap3A_314 = tpu.vector_load %arg24[%swap3A_312, %swap3A_313] {strides = array<i32>} : memref<40x128xf32, #tpu.memory_space<vmem>>, vector<1x16xf32>,
        %swap3A_315 = vector.shape_cast %swap3A_314 : vector<1x16xf32> to vector<16xf32>
        %swap3A_316 = vector.shape_cast %mul3A_311 : vector<16xf32> to vector<1x16xf32>
        tpu.vector_store %arg24[%swap3A_312, %swap3A_313], %swap3A_316 {strides = array<i32>} : memref<40x128xf32, #tpu.memory_space<vmem>>, vector<1x16xf32>,
        %get3A_317 = arith.index_cast %scan3A_216 : i32 to index
        %get3A_318 = arith.constant 112 : index
        %get3A_319 = tpu.vector_load %arg24[%get3A_317, %get3A_318] {strides = array<i32>} : memref<40x128xf32, #tpu.memory_space<vmem>>, vector<1x16xf32>,
        %get3A_320 = vector.shape_cast %get3A_319 : vector<1x16xf32> to vector<16xf32>
        %mul3A_321 = vector.broadcast %squeeze3A_305 : f32 to vector<16xf32>
        %mul3A_322 = arith.mulf %get3A_320, %mul3A_321 : vector<16xf32>
        %swap3A_323 = arith.index_cast %scan3A_216 : i32 to index
        %swap3A_324 = arith.constant 112 : index
        %swap3A_325 = tpu.vector_load %arg24[%swap3A_323, %swap3A_324] {strides = array<i32>} : memref<40x128xf32, #tpu.memory_space<vmem>>, vector<1x16xf32>,
        %swap3A_326 = vector.shape_cast %swap3A_325 : vector<1x16xf32> to vector<16xf32>
        %swap3A_327 = vector.shape_cast %mul3A_322 : vector<16xf32> to vector<1x16xf32>
        tpu.vector_store %arg24[%swap3A_323, %swap3A_324], %swap3A_327 {strides = array<i32>} : memref<40x128xf32, #tpu.memory_space<vmem>>, vector<1x16xf32>,
        %scan3A_328 = arith.constant 1 : i32
        %scan3A_329 = arith.addi %scan3A_216, %scan3A_328 : i32
        %get3A_330 = arith.index_cast %scan3A_329 : i32 to index
        %get3A_331 = arith.constant 0 : index
        %get3A_332 = tpu.vector_load %arg22[%get3A_330, %get3A_331] {strides = array<i32>} : memref<40x16xf32, #tpu.memory_space<vmem>>, vector<1x16xf32>,
        %get3A_333 = vector.shape_cast %get3A_332 : vector<1x16xf32> to vector<16xf32>
        %get3A_334 = arith.index_cast %scan3A_329 : i32 to index
        %get3A_335 = arith.constant 0 : index
        %get3A_336 = tpu.vector_load %arg23[%get3A_334, %get3A_335] {strides = array<i32>} : memref<40x16xf32, #tpu.memory_space<vmem>>, vector<1x16xf32>,
        %get3A_337 = vector.shape_cast %get3A_336 : vector<1x16xf32> to vector<16xf32>
        %add3A_338 = arith.addf %get3A_333, %get3A_337 : vector<16xf32>
        %mul3A_339 = arith.constant 2.000000e-01 : f32
        %mul3A_340 = vector.broadcast %mul3A_339 : f32 to vector<16xf32>
        %mul3A_341 = arith.mulf %mul3A_340, %add3A_338 : vector<16xf32>
        %max3A_342 = arith.maximumf %add3A_338, %mul3A_341 : vector<16xf32>
        %exp3A_343 = math.exp %max3A_342 : vector<16xf32>
        %swap3A_344 = arith.index_cast %scan3A_329 : i32 to index
        %swap3A_345 = arith.constant 0 : index
        %swap3A_346 = tpu.vector_load %arg22[%swap3A_344, %swap3A_345] {strides = array<i32>} : memref<40x16xf32, #tpu.memory_space<vmem>>, vector<1x16xf32>,
        %swap3A_347 = vector.shape_cast %swap3A_346 : vector<1x16xf32> to vector<16xf32>
        %swap3A_348 = vector.shape_cast %exp3A_343 : vector<16xf32> to vector<1x16xf32>
        tpu.vector_store %arg22[%swap3A_344, %swap3A_345], %swap3A_348 {strides = array<i32>} : memref<40x16xf32, #tpu.memory_space<vmem>>, vector<1x16xf32>,
        %slice3A_349 = vector.extract_strided_slice %exp3A_343 {offsets = [0], sizes = [1], strides = [1]} : vector<16xf32> to vector<1xf32>
        %squeeze3A_350 = vector.extract %slice3A_349[0] : f32 from vector<1xf32>
        %get3A_351 = arith.index_cast %scan3A_329 : i32 to index
        %get3A_352 = arith.constant 0 : index
        %get3A_353 = tpu.vector_load %arg24[%get3A_351, %get3A_352] {strides = array<i32>} : memref<40x128xf32, #tpu.memory_space<vmem>>, vector<1x16xf32>,
        %get3A_354 = vector.shape_cast %get3A_353 : vector<1x16xf32> to vector<16xf32>
        %mul3A_355 = vector.broadcast %squeeze3A_350 : f32 to vector<16xf32>
        %mul3A_356 = arith.mulf %get3A_354, %mul3A_355 : vector<16xf32>
        %swap3A_357 = arith.index_cast %scan3A_329 : i32 to index
        %swap3A_358 = arith.constant 0 : index
        %swap3A_359 = tpu.vector_load %arg24[%swap3A_357, %swap3A_358] {strides = array<i32>} : memref<40x128xf32, #tpu.memory_space<vmem>>, vector<1x16xf32>,
        %swap3A_360 = vector.shape_cast %swap3A_359 : vector<1x16xf32> to vector<16xf32>
        %swap3A_361 = vector.shape_cast %mul3A_356 : vector<16xf32> to vector<1x16xf32>
        tpu.vector_store %arg24[%swap3A_357, %swap3A_358], %swap3A_361 {strides = array<i32>} : memref<40x128xf32, #tpu.memory_space<vmem>>, vector<1x16xf32>,
        %get3A_362 = arith.index_cast %scan3A_329 : i32 to index
        %get3A_363 = arith.constant 16 : index
        %get3A_364 = tpu.vector_load %arg24[%get3A_362, %get3A_363] {strides = array<i32>} : memref<40x128xf32, #tpu.memory_space<vmem>>, vector<1x16xf32>,
        %get3A_365 = vector.shape_cast %get3A_364 : vector<1x16xf32> to vector<16xf32>
        %mul3A_366 = vector.broadcast %squeeze3A_350 : f32 to vector<16xf32>
        %mul3A_367 = arith.mulf %get3A_365, %mul3A_366 : vector<16xf32>
        %swap3A_368 = arith.index_cast %scan3A_329 : i32 to index
        %swap3A_369 = arith.constant 16 : index
        %swap3A_370 = tpu.vector_load %arg24[%swap3A_368, %swap3A_369] {strides = array<i32>} : memref<40x128xf32, #tpu.memory_space<vmem>>, vector<1x16xf32>,
        %swap3A_371 = vector.shape_cast %swap3A_370 : vector<1x16xf32> to vector<16xf32>
        %swap3A_372 = vector.shape_cast %mul3A_367 : vector<16xf32> to vector<1x16xf32>
        tpu.vector_store %arg24[%swap3A_368, %swap3A_369], %swap3A_372 {strides = array<i32>} : memref<40x128xf32, #tpu.memory_space<vmem>>, vector<1x16xf32>,
        %slice3A_373 = vector.extract_strided_slice %exp3A_343 {offsets = [1], sizes = [1], strides = [1]} : vector<16xf32> to vector<1xf32>
        %squeeze3A_374 = vector.extract %slice3A_373[0] : f32 from vector<1xf32>
        %get3A_375 = arith.index_cast %scan3A_329 : i32 to index
        %get3A_376 = arith.constant 32 : index
        %get3A_377 = tpu.vector_load %arg24[%get3A_375, %get3A_376] {strides = array<i32>} : memref<40x128xf32, #tpu.memory_space<vmem>>, vector<1x16xf32>,
        %get3A_378 = vector.shape_cast %get3A_377 : vector<1x16xf32> to vector<16xf32>
        %mul3A_379 = vector.broadcast %squeeze3A_374 : f32 to vector<16xf32>
        %mul3A_380 = arith.mulf %get3A_378, %mul3A_379 : vector<16xf32>
        %swap3A_381 = arith.index_cast %scan3A_329 : i32 to index
        %swap3A_382 = arith.constant 32 : index
        %swap3A_383 = tpu.vector_load %arg24[%swap3A_381, %swap3A_382] {strides = array<i32>} : memref<40x128xf32, #tpu.memory_space<vmem>>, vector<1x16xf32>,
        %swap3A_384 = vector.shape_cast %swap3A_383 : vector<1x16xf32> to vector<16xf32>
        %swap3A_385 = vector.shape_cast %mul3A_380 : vector<16xf32> to vector<1x16xf32>
        tpu.vector_store %arg24[%swap3A_381, %swap3A_382], %swap3A_385 {strides = array<i32>} : memref<40x128xf32, #tpu.memory_space<vmem>>, vector<1x16xf32>,
        %get3A_386 = arith.index_cast %scan3A_329 : i32 to index
        %get3A_387 = arith.constant 48 : index
        %get3A_388 = tpu.vector_load %arg24[%get3A_386, %get3A_387] {strides = array<i32>} : memref<40x128xf32, #tpu.memory_space<vmem>>, vector<1x16xf32>,
        %get3A_389 = vector.shape_cast %get3A_388 : vector<1x16xf32> to vector<16xf32>
        %mul3A_390 = vector.broadcast %squeeze3A_374 : f32 to vector<16xf32>
        %mul3A_391 = arith.mulf %get3A_389, %mul3A_390 : vector<16xf32>
        %swap3A_392 = arith.index_cast %scan3A_329 : i32 to index
        %swap3A_393 = arith.constant 48 : index
        %swap3A_394 = tpu.vector_load %arg24[%swap3A_392, %swap3A_393] {strides = array<i32>} : memref<40x128xf32, #tpu.memory_space<vmem>>, vector<1x16xf32>,
        %swap3A_395 = vector.shape_cast %swap3A_394 : vector<1x16xf32> to vector<16xf32>
        %swap3A_396 = vector.shape_cast %mul3A_391 : vector<16xf32> to vector<1x16xf32>
        tpu.vector_store %arg24[%swap3A_392, %swap3A_393], %swap3A_396 {strides = array<i32>} : memref<40x128xf32, #tpu.memory_space<vmem>>, vector<1x16xf32>,
        %slice3A_397 = vector.extract_strided_slice %exp3A_343 {offsets = [2], sizes = [1], strides = [1]} : vector<16xf32> to vector<1xf32>
        %squeeze3A_398 = vector.extract %slice3A_397[0] : f32 from vector<1xf32>
        %get3A_399 = arith.index_cast %scan3A_329 : i32 to index
        %get3A_400 = arith.constant 64 : index
        %get3A_401 = tpu.vector_load %arg24[%get3A_399, %get3A_400] {strides = array<i32>} : memref<40x128xf32, #tpu.memory_space<vmem>>, vector<1x16xf32>,
        %get3A_402 = vector.shape_cast %get3A_401 : vector<1x16xf32> to vector<16xf32>
        %mul3A_403 = vector.broadcast %squeeze3A_398 : f32 to vector<16xf32>
        %mul3A_404 = arith.mulf %get3A_402, %mul3A_403 : vector<16xf32>
        %swap3A_405 = arith.index_cast %scan3A_329 : i32 to index
        %swap3A_406 = arith.constant 64 : index
        %swap3A_407 = tpu.vector_load %arg24[%swap3A_405, %swap3A_406] {strides = array<i32>} : memref<40x128xf32, #tpu.memory_space<vmem>>, vector<1x16xf32>,
        %swap3A_408 = vector.shape_cast %swap3A_407 : vector<1x16xf32> to vector<16xf32>
        %swap3A_409 = vector.shape_cast %mul3A_404 : vector<16xf32> to vector<1x16xf32>
        tpu.vector_store %arg24[%swap3A_405, %swap3A_406], %swap3A_409 {strides = array<i32>} : memref<40x128xf32, #tpu.memory_space<vmem>>, vector<1x16xf32>,
        %get3A_410 = arith.index_cast %scan3A_329 : i32 to index
        %get3A_411 = arith.constant 80 : index
        %get3A_412 = tpu.vector_load %arg24[%get3A_410, %get3A_411] {strides = array<i32>} : memref<40x128xf32, #tpu.memory_space<vmem>>, vector<1x16xf32>,
        %get3A_413 = vector.shape_cast %get3A_412 : vector<1x16xf32> to vector<16xf32>
        %mul3A_414 = vector.broadcast %squeeze3A_398 : f32 to vector<16xf32>
        %mul3A_415 = arith.mulf %get3A_413, %mul3A_414 : vector<16xf32>
        %swap3A_416 = arith.index_cast %scan3A_329 : i32 to index
        %swap3A_417 = arith.constant 80 : index
        %swap3A_418 = tpu.vector_load %arg24[%swap3A_416, %swap3A_417] {strides = array<i32>} : memref<40x128xf32, #tpu.memory_space<vmem>>, vector<1x16xf32>,
        %swap3A_419 = vector.shape_cast %swap3A_418 : vector<1x16xf32> to vector<16xf32>
        %swap3A_420 = vector.shape_cast %mul3A_415 : vector<16xf32> to vector<1x16xf32>
        tpu.vector_store %arg24[%swap3A_416, %swap3A_417], %swap3A_420 {strides = array<i32>} : memref<40x128xf32, #tpu.memory_space<vmem>>, vector<1x16xf32>,
        %slice3A_421 = vector.extract_strided_slice %exp3A_343 {offsets = [3], sizes = [1], strides = [1]} : vector<16xf32> to vector<1xf32>
        %squeeze3A_422 = vector.extract %slice3A_421[0] : f32 from vector<1xf32>
        %get3A_423 = arith.index_cast %scan3A_329 : i32 to index
        %get3A_424 = arith.constant 96 : index
        %get3A_425 = tpu.vector_load %arg24[%get3A_423, %get3A_424] {strides = array<i32>} : memref<40x128xf32, #tpu.memory_space<vmem>>, vector<1x16xf32>,
        %get3A_426 = vector.shape_cast %get3A_425 : vector<1x16xf32> to vector<16xf32>
        %mul3A_427 = vector.broadcast %squeeze3A_422 : f32 to vector<16xf32>
        %mul3A_428 = arith.mulf %get3A_426, %mul3A_427 : vector<16xf32>
        %swap3A_429 = arith.index_cast %scan3A_329 : i32 to index
        %swap3A_430 = arith.constant 96 : index
        %swap3A_431 = tpu.vector_load %arg24[%swap3A_429, %swap3A_430] {strides = array<i32>} : memref<40x128xf32, #tpu.memory_space<vmem>>, vector<1x16xf32>,
        %swap3A_432 = vector.shape_cast %swap3A_431 : vector<1x16xf32> to vector<16xf32>
        %swap3A_433 = vector.shape_cast %mul3A_428 : vector<16xf32> to vector<1x16xf32>
        tpu.vector_store %arg24[%swap3A_429, %swap3A_430], %swap3A_433 {strides = array<i32>} : memref<40x128xf32, #tpu.memory_space<vmem>>, vector<1x16xf32>,
        %get3A_434 = arith.index_cast %scan3A_329 : i32 to index
        %get3A_435 = arith.constant 112 : index
        %get3A_436 = tpu.vector_load %arg24[%get3A_434, %get3A_435] {strides = array<i32>} : memref<40x128xf32, #tpu.memory_space<vmem>>, vector<1x16xf32>,
        %get3A_437 = vector.shape_cast %get3A_436 : vector<1x16xf32> to vector<16xf32>
        %mul3A_438 = vector.broadcast %squeeze3A_422 : f32 to vector<16xf32>
        %mul3A_439 = arith.mulf %get3A_437, %mul3A_438 : vector<16xf32>
        %swap3A_440 = arith.index_cast %scan3A_329 : i32 to index
        %swap3A_441 = arith.constant 112 : index
        %swap3A_442 = tpu.vector_load %arg24[%swap3A_440, %swap3A_441] {strides = array<i32>} : memref<40x128xf32, #tpu.memory_space<vmem>>, vector<1x16xf32>,
        %swap3A_443 = vector.shape_cast %swap3A_442 : vector<1x16xf32> to vector<16xf32>
        %swap3A_444 = vector.shape_cast %mul3A_439 : vector<16xf32> to vector<1x16xf32>
        tpu.vector_store %arg24[%swap3A_440, %swap3A_441], %swap3A_444 {strides = array<i32>} : memref<40x128xf32, #tpu.memory_space<vmem>>, vector<1x16xf32>,
      }
      %scan3A_209 = arith.constant 40 : i32
      %dma_start3A_210 = arith.constant 0 : i32
      %dma_start3A_211 = arith.constant 0 : i32
      %dma_start3A_212 = tpu.memref_slice %arg11[%dma_start3A_210, %dma_start3A_211] : memref<10000x128xf32, #tpu.memory_space<vmem_shared>> -> memref<10000x128xf32, #tpu.memory_space<vmem_shared>>
      tpu.enqueue_indirect_dma source(%arg24 : memref<40x128xf32, #tpu.memory_space<vmem>>) target(%dma_start3A_212 : memref<10000x128xf32, #tpu.memory_space<vmem_shared>>) offsets(%arg26 : memref<40xi32, #tpu.memory_space<vmem>>) semaphore(%arg28 : memref<!tpu.dma_semaphore, #tpu.memory_space<semaphore_mem>>) {add = true}
      %dma_start3A_213 = arith.constant 0 : i32
      %dma_start3A_214 = arith.constant 0 : i32
      %dma_start3A_215 = tpu.memref_slice %arg12[%dma_start3A_213, %dma_start3A_214] : memref<10000x16xf32, #tpu.memory_space<vmem_shared>> -> memref<10000x16xf32, #tpu.memory_space<vmem_shared>>
      tpu.enqueue_indirect_dma source(%arg22 : memref<40x16xf32, #tpu.memory_space<vmem>>) target(%dma_start3A_215 : memref<10000x16xf32, #tpu.memory_space<vmem_shared>>) offsets(%arg26 : memref<40xi32, #tpu.memory_space<vmem>>) semaphore(%arg28 : memref<!tpu.dma_semaphore, #tpu.memory_space<semaphore_mem>>) {add = true}
    }
    %scan3A_73 = arith.constant 125 : i32
    %dma_wait3A = arith.constant 0 : i32
    %dma_wait3A_74 = arith.constant 0 : i32
    %dma_wait3A_75 = tpu.memref_slice %arg11[%dma_wait3A, %dma_wait3A_74] : memref<10000x128xf32, #tpu.memory_space<vmem_shared>> -> memref<10000x128xf32, #tpu.memory_space<vmem_shared>>
    tpu.wait_indirect_dma semaphore(%arg28 : memref<!tpu.dma_semaphore, #tpu.memory_space<semaphore_mem>>) src(%arg24 : memref<40x128xf32, #tpu.memory_space<vmem>>) dst(%dma_wait3A_75 : memref<10000x128xf32, #tpu.memory_space<vmem_shared>>)
    %dma_wait3A_76 = arith.constant 0 : i32
    %dma_wait3A_77 = arith.constant 0 : i32
    %dma_wait3A_78 = tpu.memref_slice %arg12[%dma_wait3A_76, %dma_wait3A_77] : memref<10000x16xf32, #tpu.memory_space<vmem_shared>> -> memref<10000x16xf32, #tpu.memory_space<vmem_shared>>
    tpu.wait_indirect_dma semaphore(%arg28 : memref<!tpu.dma_semaphore, #tpu.memory_space<semaphore_mem>>) src(%arg22 : memref<40x16xf32, #tpu.memory_space<vmem>>) dst(%dma_wait3A_78 : memref<10000x16xf32, #tpu.memory_space<vmem_shared>>)
    %barrier3A_79 = arith.constant 0 : index
    tpu.barrier barrier_id(%barrier3A_79)
    "tpu.region"() ({
      %run_scoped3A = tpu.sem_alloc : memref<!tpu.dma_semaphore, #tpu.memory_space<semaphore_mem>>
      %dma_start3A_85 = arith.constant 0 : i32
      %dma_start3A_86 = tpu.memref_slice %arg9[%arg0, %multiple_of3A, %dma_start3A_85] : memref<2x10000x128xf32, #tpu.memory_space<hbm>> -> memref<1x624x128xf32, #tpu.memory_space<hbm>>
      %dma_start3A_87 = tpu.memref_squeeze %dma_start3A_86 : memref<1x624x128xf32, #tpu.memory_space<hbm>> -> memref<624x128xf32, #tpu.memory_space<hbm>>
      %dma_start3A_88 = arith.constant 0 : i32
      %dma_start3A_89 = tpu.memref_slice %arg11[%multiple_of3A, %dma_start3A_88] : memref<10000x128xf32, #tpu.memory_space<vmem_shared>> -> memref<624x128xf32, #tpu.memory_space<vmem_shared>>
      tpu.enqueue_dma source(%dma_start3A_89 : memref<624x128xf32, #tpu.memory_space<vmem_shared>>) target(%dma_start3A_87 : memref<624x128xf32, #tpu.memory_space<hbm>>) target_semaphore(%run_scoped3A : memref<!tpu.dma_semaphore, #tpu.memory_space<semaphore_mem>>)
      %dma_wait3A_90 = arith.constant 0 : i32
      %dma_wait3A_91 = tpu.memref_slice %arg9[%arg0, %multiple_of3A, %dma_wait3A_90] : memref<2x10000x128xf32, #tpu.memory_space<hbm>> -> memref<1x624x128xf32, #tpu.memory_space<hbm>>
      %dma_wait3A_92 = tpu.memref_squeeze %dma_wait3A_91 : memref<1x624x128xf32, #tpu.memory_space<hbm>> -> memref<624x128xf32, #tpu.memory_space<hbm>>
      %dma_wait3A_93 = arith.constant 0 : i32
      %dma_wait3A_94 = tpu.memref_slice %arg11[%multiple_of3A, %dma_wait3A_93] : memref<10000x128xf32, #tpu.memory_space<vmem_shared>> -> memref<624x128xf32, #tpu.memory_space<vmem_shared>>
      tpu.wait_dma2 semaphore(%run_scoped3A : memref<!tpu.dma_semaphore, #tpu.memory_space<semaphore_mem>>) src(%dma_wait3A_94 : memref<624x128xf32, #tpu.memory_space<vmem_shared>>) dst(%dma_wait3A_92 : memref<624x128xf32, #tpu.memory_space<hbm>>)
      tpu.yield
    }) : () -> ()
    "tpu.region"() ({
      %run_scoped3A = tpu.sem_alloc : memref<!tpu.dma_semaphore, #tpu.memory_space<semaphore_mem>>
      %dma_start3A_85 = arith.constant 0 : i32
      %dma_start3A_86 = tpu.memref_slice %arg10[%arg0, %multiple_of3A, %dma_start3A_85] : memref<2x10000x16xf32, #tpu.memory_space<hbm>> -> memref<1x624x16xf32, #tpu.memory_space<hbm>>
      %dma_start3A_87 = tpu.memref_squeeze %dma_start3A_86 : memref<1x624x16xf32, #tpu.memory_space<hbm>> -> memref<624x16xf32, #tpu.memory_space<hbm>>
      %dma_start3A_88 = arith.constant 0 : i32
      %dma_start3A_89 = tpu.memref_slice %arg12[%multiple_of3A, %dma_start3A_88] : memref<10000x16xf32, #tpu.memory_space<vmem_shared>> -> memref<624x16xf32, #tpu.memory_space<vmem_shared>>
      tpu.enqueue_dma source(%dma_start3A_89 : memref<624x16xf32, #tpu.memory_space<vmem_shared>>) target(%dma_start3A_87 : memref<624x16xf32, #tpu.memory_space<hbm>>) target_semaphore(%run_scoped3A : memref<!tpu.dma_semaphore, #tpu.memory_space<semaphore_mem>>)
      %dma_wait3A_90 = arith.constant 0 : i32
      %dma_wait3A_91 = tpu.memref_slice %arg10[%arg0, %multiple_of3A, %dma_wait3A_90] : memref<2x10000x16xf32, #tpu.memory_space<hbm>> -> memref<1x624x16xf32, #tpu.memory_space<hbm>>
      %dma_wait3A_92 = tpu.memref_squeeze %dma_wait3A_91 : memref<1x624x16xf32, #tpu.memory_space<hbm>> -> memref<624x16xf32, #tpu.memory_space<hbm>>
      %dma_wait3A_93 = arith.constant 0 : i32
      %dma_wait3A_94 = tpu.memref_slice %arg12[%multiple_of3A, %dma_wait3A_93] : memref<10000x16xf32, #tpu.memory_space<vmem_shared>> -> memref<624x16xf32, #tpu.memory_space<vmem_shared>>
      tpu.wait_dma2 semaphore(%run_scoped3A : memref<!tpu.dma_semaphore, #tpu.memory_space<semaphore_mem>>) src(%dma_wait3A_94 : memref<624x16xf32, #tpu.memory_space<vmem_shared>>) dst(%dma_wait3A_92 : memref<624x16xf32, #tpu.memory_space<hbm>>)
      tpu.yield
    }) : () -> ()
    %eq3A_80 = arith.constant 15 : i32
    %eq3A_81 = arith.cmpi eq, %arg1, %eq3A_80 : i32
    %convert_element_type3A_82 = arith.extui %eq3A_81 : i1 to i32
    %cond3A_83 = arith.constant 0 : i32
    %cond3A_84 = arith.cmpi ne, %convert_element_type3A_82, %cond3A_83 : i32
    scf.if %cond3A_84 {
      "tpu.region"() ({
        %run_scoped3A = tpu.sem_alloc : memref<!tpu.dma_semaphore, #tpu.memory_space<semaphore_mem>>
        %dma_start3A_85 = arith.constant 9984 : i32
        %dma_start3A_86 = arith.constant 0 : i32
        %dma_start3A_87 = tpu.memref_slice %arg9[%arg0, %dma_start3A_85, %dma_start3A_86] : memref<2x10000x128xf32, #tpu.memory_space<hbm>> -> memref<1x16x128xf32, #tpu.memory_space<hbm>>
        %dma_start3A_88 = tpu.memref_squeeze %dma_start3A_87 : memref<1x16x128xf32, #tpu.memory_space<hbm>> -> memref<16x128xf32, #tpu.memory_space<hbm>>
        %dma_start3A_89 = arith.constant 9984 : i32
        %dma_start3A_90 = arith.constant 0 : i32
        %dma_start3A_91 = tpu.memref_slice %arg11[%dma_start3A_89, %dma_start3A_90] : memref<10000x128xf32, #tpu.memory_space<vmem_shared>> -> memref<16x128xf32, #tpu.memory_space<vmem_shared>>
        tpu.enqueue_dma source(%dma_start3A_91 : memref<16x128xf32, #tpu.memory_space<vmem_shared>>) target(%dma_start3A_88 : memref<16x128xf32, #tpu.memory_space<hbm>>) target_semaphore(%run_scoped3A : memref<!tpu.dma_semaphore, #tpu.memory_space<semaphore_mem>>)
        %dma_wait3A_92 = arith.constant 9984 : i32
        %dma_wait3A_93 = arith.constant 0 : i32
        %dma_wait3A_94 = tpu.memref_slice %arg9[%arg0, %dma_wait3A_92, %dma_wait3A_93] : memref<2x10000x128xf32, #tpu.memory_space<hbm>> -> memref<1x16x128xf32, #tpu.memory_space<hbm>>
        %dma_wait3A_95 = tpu.memref_squeeze %dma_wait3A_94 : memref<1x16x128xf32, #tpu.memory_space<hbm>> -> memref<16x128xf32, #tpu.memory_space<hbm>>
        %dma_wait3A_96 = arith.constant 9984 : i32
        %dma_wait3A_97 = arith.constant 0 : i32
        %dma_wait3A_98 = tpu.memref_slice %arg11[%dma_wait3A_96, %dma_wait3A_97] : memref<10000x128xf32, #tpu.memory_space<vmem_shared>> -> memref<16x128xf32, #tpu.memory_space<vmem_shared>>
        tpu.wait_dma2 semaphore(%run_scoped3A : memref<!tpu.dma_semaphore, #tpu.memory_space<semaphore_mem>>) src(%dma_wait3A_98 : memref<16x128xf32, #tpu.memory_space<vmem_shared>>) dst(%dma_wait3A_95 : memref<16x128xf32, #tpu.memory_space<hbm>>)
        tpu.yield
      }) : () -> ()
      "tpu.region"() ({
        %run_scoped3A = tpu.sem_alloc : memref<!tpu.dma_semaphore, #tpu.memory_space<semaphore_mem>>
        %dma_start3A_85 = arith.constant 9984 : i32
        %dma_start3A_86 = arith.constant 0 : i32
        %dma_start3A_87 = tpu.memref_slice %arg10[%arg0, %dma_start3A_85, %dma_start3A_86] : memref<2x10000x16xf32, #tpu.memory_space<hbm>> -> memref<1x16x16xf32, #tpu.memory_space<hbm>>
        %dma_start3A_88 = tpu.memref_squeeze %dma_start3A_87 : memref<1x16x16xf32, #tpu.memory_space<hbm>> -> memref<16x16xf32, #tpu.memory_space<hbm>>
        %dma_start3A_89 = arith.constant 9984 : i32
        %dma_start3A_90 = arith.constant 0 : i32
        %dma_start3A_91 = tpu.memref_slice %arg12[%dma_start3A_89, %dma_start3A_90] : memref<10000x16xf32, #tpu.memory_space<vmem_shared>> -> memref<16x16xf32, #tpu.memory_space<vmem_shared>>
        tpu.enqueue_dma source(%dma_start3A_91 : memref<16x16xf32, #tpu.memory_space<vmem_shared>>) target(%dma_start3A_88 : memref<16x16xf32, #tpu.memory_space<hbm>>) target_semaphore(%run_scoped3A : memref<!tpu.dma_semaphore, #tpu.memory_space<semaphore_mem>>)
        %dma_wait3A_92 = arith.constant 9984 : i32
        %dma_wait3A_93 = arith.constant 0 : i32
        %dma_wait3A_94 = tpu.memref_slice %arg10[%arg0, %dma_wait3A_92, %dma_wait3A_93] : memref<2x10000x16xf32, #tpu.memory_space<hbm>> -> memref<1x16x16xf32, #tpu.memory_space<hbm>>
        %dma_wait3A_95 = tpu.memref_squeeze %dma_wait3A_94 : memref<1x16x16xf32, #tpu.memory_space<hbm>> -> memref<16x16xf32, #tpu.memory_space<hbm>>
        %dma_wait3A_96 = arith.constant 9984 : i32
        %dma_wait3A_97 = arith.constant 0 : i32
        %dma_wait3A_98 = tpu.memref_slice %arg12[%dma_wait3A_96, %dma_wait3A_97] : memref<10000x16xf32, #tpu.memory_space<vmem_shared>> -> memref<16x16xf32, #tpu.memory_space<vmem_shared>>
        tpu.wait_dma2 semaphore(%run_scoped3A : memref<!tpu.dma_semaphore, #tpu.memory_space<semaphore_mem>>) src(%dma_wait3A_98 : memref<16x16xf32, #tpu.memory_space<vmem_shared>>) dst(%dma_wait3A_95 : memref<16x16xf32, #tpu.memory_space<hbm>>)
        tpu.yield
      }) : () -> ()
    } else {
    }
    return
  }
}

module attributes {stable_mosaic.version = 14 : i64} {
  func.func @_proj_body(%arg0: i32, %arg1: memref<1000x128xf32, #tpu.memory_space<vmem>>, %arg2: memref<128x128xf32, #tpu.memory_space<vmem>>, %arg3: memref<128x16xf32, #tpu.memory_space<vmem>>, %arg4: memref<128x16xf32, #tpu.memory_space<vmem>>, %arg5: memref<1000x128xf32, #tpu.memory_space<vmem>>, %arg6: memref<1000x16xf32, #tpu.memory_space<vmem>>, %arg7: memref<1000x16xf32, #tpu.memory_space<vmem>>) attributes {dimension_semantics = [#tpu.dimension_semantics<arbitrary>], iteration_bounds = array<i64: 10>, scalar_prefetch = 0 : i64, scratch_operands = 0 : i64, tpu.core_type = #tpu.core_type<tc>, window_params = [{transform_indices = @transform_0, window_bounds = array<i64: 1000, 128>}, {pipeline_mode = #tpu.pipeline_mode<synchronous>, transform_indices = @transform_1, window_bounds = array<i64: 128, 128>}, {pipeline_mode = #tpu.pipeline_mode<synchronous>, transform_indices = @transform_2, window_bounds = array<i64: 128, 16>}, {pipeline_mode = #tpu.pipeline_mode<synchronous>, transform_indices = @transform_3, window_bounds = array<i64: 128, 16>}, {transform_indices = @transform_4, window_bounds = array<i64: 1000, 128>}, {transform_indices = @transform_5, window_bounds = array<i64: 1000, 16>}, {transform_indices = @transform_6, window_bounds = array<i64: 1000, 16>}]} {
    %get3A = arith.constant 0 : index
    %get3A_0 = arith.constant 0 : index
    %get3A_1 = vector.load %arg1[%get3A, %get3A_0] : memref<1000x128xf32, #tpu.memory_space<vmem>>, vector<1000x128xf32>
    %get3A_2 = arith.constant 0 : index
    %get3A_3 = arith.constant 0 : index
    %get3A_4 = vector.load %arg2[%get3A_2, %get3A_3] : memref<128x128xf32, #tpu.memory_space<vmem>>, vector<128x128xf32>
    %dot_general3A = arith.constant dense<0.000000e+00> : vector<1000x128xf32>
    %dot_general3A_5 = tpu.matmul %get3A_1, %get3A_4, %dot_general3A {dimension_numbers = #tpu.dot_dimension_numbers<[1], [0], [0], [1], [0, 0, 1, 1], [], []>, transpose_lhs_hint = false} : vector<1000x128xf32>, vector<128x128xf32>, vector<1000x128xf32> -> vector<1000x128xf32>
    %swap3A = arith.constant 0 : index
    %swap3A_6 = arith.constant 0 : index
    %swap3A_7 = vector.load %arg5[%swap3A, %swap3A_6] : memref<1000x128xf32, #tpu.memory_space<vmem>>, vector<1000x128xf32>
    tpu.vector_store %arg5[%swap3A, %swap3A_6], %dot_general3A_5 {strides = array<i32>} : memref<1000x128xf32, #tpu.memory_space<vmem>>, vector<1000x128xf32>,
    %get3A_8 = arith.constant 0 : index
    %get3A_9 = arith.constant 0 : index
    %get3A_10 = vector.load %arg3[%get3A_8, %get3A_9] : memref<128x16xf32, #tpu.memory_space<vmem>>, vector<128x16xf32>
    %dot_general3A_11 = arith.constant dense<0.000000e+00> : vector<1000x16xf32>
    %dot_general3A_12 = tpu.matmul %dot_general3A_5, %get3A_10, %dot_general3A_11 {dimension_numbers = #tpu.dot_dimension_numbers<[1], [0], [0], [1], [0, 0, 1, 1], [], []>, transpose_lhs_hint = false} : vector<1000x128xf32>, vector<128x16xf32>, vector<1000x16xf32> -> vector<1000x16xf32>
    %swap3A_13 = arith.constant 0 : index
    %swap3A_14 = arith.constant 0 : index
    %swap3A_15 = vector.load %arg6[%swap3A_13, %swap3A_14] : memref<1000x16xf32, #tpu.memory_space<vmem>>, vector<1000x16xf32>
    tpu.vector_store %arg6[%swap3A_13, %swap3A_14], %dot_general3A_12 {strides = array<i32>} : memref<1000x16xf32, #tpu.memory_space<vmem>>, vector<1000x16xf32>,
    %get3A_16 = arith.constant 0 : index
    %get3A_17 = arith.constant 0 : index
    %get3A_18 = vector.load %arg4[%get3A_16, %get3A_17] : memref<128x16xf32, #tpu.memory_space<vmem>>, vector<128x16xf32>
    %dot_general3A_19 = arith.constant dense<0.000000e+00> : vector<1000x16xf32>
    %dot_general3A_20 = tpu.matmul %dot_general3A_5, %get3A_18, %dot_general3A_19 {dimension_numbers = #tpu.dot_dimension_numbers<[1], [0], [0], [1], [0, 0, 1, 1], [], []>, transpose_lhs_hint = false} : vector<1000x128xf32>, vector<128x16xf32>, vector<1000x16xf32> -> vector<1000x16xf32>
    %swap3A_21 = arith.constant 0 : index
    %swap3A_22 = arith.constant 0 : index
    %swap3A_23 = vector.load %arg7[%swap3A_21, %swap3A_22] : memref<1000x16xf32, #tpu.memory_space<vmem>>, vector<1000x16xf32>
    tpu.vector_store %arg7[%swap3A_21, %swap3A_22], %dot_general3A_20 {strides = array<i32>} : memref<1000x16xf32, #tpu.memory_space<vmem>>, vector<1000x16xf32>,
    return
  }
  func.func @transform_0(%arg0: i32) -> (i32, i32) {
    %c0_i32 = arith.constant 0 : i32
    %c0_i32_0 = arith.constant 0 : i32
    return %arg0, %c0_i32 : i32, i32
  }
  func.func @transform_1(%arg0: i32) -> (i32, i32) {
    %c0_i32 = arith.constant 0 : i32
    %c0_i32_0 = arith.constant 0 : i32
    %c0_i32_1 = arith.constant 0 : i32
    return %c0_i32, %c0_i32_0 : i32, i32
  }
  func.func @transform_2(%arg0: i32) -> (i32, i32) {
    %c0_i32 = arith.constant 0 : i32
    %c0_i32_0 = arith.constant 0 : i32
    %c0_i32_1 = arith.constant 0 : i32
    return %c0_i32, %c0_i32_0 : i32, i32
  }
  func.func @transform_3(%arg0: i32) -> (i32, i32) {
    %c0_i32 = arith.constant 0 : i32
    %c0_i32_0 = arith.constant 0 : i32
    %c0_i32_1 = arith.constant 0 : i32
    return %c0_i32, %c0_i32_0 : i32, i32
  }
  func.func @transform_4(%arg0: i32) -> (i32, i32) {
    %c0_i32 = arith.constant 0 : i32
    %c0_i32_0 = arith.constant 0 : i32
    return %arg0, %c0_i32 : i32, i32
  }
  func.func @transform_5(%arg0: i32) -> (i32, i32) {
    %c0_i32 = arith.constant 0 : i32
    %c0_i32_0 = arith.constant 0 : i32
    return %arg0, %c0_i32 : i32, i32
  }
  func.func @transform_6(%arg0: i32) -> (i32, i32) {
    %c0_i32 = arith.constant 0 : i32
    %c0_i32_0 = arith.constant 0 : i32
    return %arg0, %c0_i32 : i32, i32
  }
}

module attributes {stable_mosaic.version = 14 : i64} {
  func.func @_finish_body(%arg0: i32, %arg1: memref<2x1000x128xf32, #tpu.memory_space<vmem>>, %arg2: memref<2x1000x16xf32, #tpu.memory_space<vmem>>, %arg3: memref<1x128xf32, #tpu.memory_space<vmem>>, %arg4: memref<1000x128xf32, #tpu.memory_space<vmem>>) attributes {dimension_semantics = [#tpu.dimension_semantics<arbitrary>], iteration_bounds = array<i64: 10>, scalar_prefetch = 0 : i64, scratch_operands = 0 : i64, tpu.core_type = #tpu.core_type<tc>, window_params = [{transform_indices = @transform_0, window_bounds = array<i64: 2, 1000, 128>}, {transform_indices = @transform_1, window_bounds = array<i64: 2, 1000, 16>}, {pipeline_mode = #tpu.pipeline_mode<synchronous>, transform_indices = @transform_2, window_bounds = array<i64: 1, 128>}, {transform_indices = @transform_3, window_bounds = array<i64: 1000, 128>}]} {
    %get3A = arith.constant 0 : index
    %get3A_0 = arith.constant 0 : index
    %get3A_1 = arith.constant 0 : index
    %get3A_2 = vector.load %arg1[%get3A, %get3A_0, %get3A_1] : memref<2x1000x128xf32, #tpu.memory_space<vmem>>, vector<1x1000x128xf32>
    %get3A_3 = vector.shape_cast %get3A_2 : vector<1x1000x128xf32> to vector<1000x128xf32>
    %get3A_4 = arith.constant 1 : index
    %get3A_5 = arith.constant 0 : index
    %get3A_6 = arith.constant 0 : index
    %get3A_7 = vector.load %arg1[%get3A_4, %get3A_5, %get3A_6] : memref<2x1000x128xf32, #tpu.memory_space<vmem>>, vector<1x1000x128xf32>
    %get3A_8 = vector.shape_cast %get3A_7 : vector<1x1000x128xf32> to vector<1000x128xf32>
    %add3A = arith.addf %get3A_3, %get3A_8 : vector<1000x128xf32>
    %get3A_9 = arith.constant 0 : index
    %get3A_10 = arith.constant 0 : index
    %get3A_11 = arith.constant 0 : index
    %get3A_12 = vector.load %arg2[%get3A_9, %get3A_10, %get3A_11] : memref<2x1000x16xf32, #tpu.memory_space<vmem>>, vector<1x1000x16xf32>
    %get3A_13 = vector.shape_cast %get3A_12 : vector<1x1000x16xf32> to vector<1000x16xf32>
    %get3A_14 = arith.constant 1 : index
    %get3A_15 = arith.constant 0 : index
    %get3A_16 = arith.constant 0 : index
    %get3A_17 = vector.load %arg2[%get3A_14, %get3A_15, %get3A_16] : memref<2x1000x16xf32, #tpu.memory_space<vmem>>, vector<1x1000x16xf32>
    %get3A_18 = vector.shape_cast %get3A_17 : vector<1x1000x16xf32> to vector<1000x16xf32>
    %add3A_19 = arith.addf %get3A_13, %get3A_18 : vector<1000x16xf32>
    %iota3A = tpu.iota {dimensions = array<i32: 0>} : vector<16x128xi32>
    %iota3A_20 = tpu.iota {dimensions = array<i32: 1>} : vector<16x128xi32>
    %jit3A = arith.constant 32 : i32
    %div3A = vector.broadcast %jit3A : i32 to vector<16x128xi32>
    %div3A_21 = arith.divsi %iota3A_20, %div3A : vector<16x128xi32>
    %sign3A = arith.constant 0 : i32
    %sign3A_22 = vector.broadcast %sign3A : i32 to vector<16x128xi32>
    %sign3A_23 = arith.cmpi sgt, %iota3A_20, %sign3A_22 : vector<16x128xi32>
    %sign3A_24 = arith.extui %sign3A_23 : vector<16x128xi1> to vector<16x128xi32>
    %sign3A_25 = arith.constant 0 : i32
    %sign3A_26 = vector.broadcast %sign3A_25 : i32 to vector<16x128xi32>
    %sign3A_27 = arith.cmpi slt, %iota3A_20, %sign3A_26 : vector<16x128xi32>
    %sign3A_28 = arith.extui %sign3A_27 : vector<16x128xi1> to vector<16x128xi32>
    %sign3A_29 = arith.subi %sign3A_24, %sign3A_28 : vector<16x128xi32>
    %sign3A_30 = arith.constant 0 : i32
    %sign3A_31 = arith.cmpi sgt, %jit3A, %sign3A_30 : i32
    %sign3A_32 = arith.extui %sign3A_31 : i1 to i32
    %sign3A_33 = arith.constant 0 : i32
    %sign3A_34 = arith.cmpi slt, %jit3A, %sign3A_33 : i32
    %sign3A_35 = arith.extui %sign3A_34 : i1 to i32
    %sign3A_36 = arith.subi %sign3A_32, %sign3A_35 : i32
    %ne3A = vector.broadcast %sign3A_36 : i32 to vector<16x128xi32>
    %ne3A_37 = arith.cmpi ne, %sign3A_29, %ne3A : vector<16x128xi32>
    %rem3A = vector.broadcast %jit3A : i32 to vector<16x128xi32>
    %rem3A_38 = arith.remsi %iota3A_20, %rem3A : vector<16x128xi32>
    %ne3A_39 = arith.constant 0 : i32
    %ne3A_40 = vector.broadcast %ne3A_39 : i32 to vector<16x128xi32>
    %ne3A_41 = arith.cmpi ne, %rem3A_38, %ne3A_40 : vector<16x128xi32>
    %and3A = arith.andi %ne3A_37, %ne3A_41 : vector<16x128xi1>
    %sub3A = arith.constant 1 : i32
    %sub3A_42 = vector.broadcast %sub3A : i32 to vector<16x128xi32>
    %sub3A_43 = arith.subi %div3A_21, %sub3A_42 : vector<16x128xi32>
    %select_n3A = arith.select %and3A, %sub3A_43, %div3A_21 : vector<16x128xi1>, vector<16x128xi32>
    %eq3A = arith.cmpi eq, %iota3A, %select_n3A : vector<16x128xi32>
    %jit3A_44 = arith.constant 1.000000e+00 : f32
    %jit3A_45 = arith.constant 0.000000e+00 : f32
    %broadcast_in_dim3A = vector.broadcast %jit3A_44 : f32 to vector<16x128xf32>
    %broadcast_in_dim3A_46 = vector.broadcast %jit3A_45 : f32 to vector<16x128xf32>
    %select_n3A_47 = arith.select %eq3A, %broadcast_in_dim3A, %broadcast_in_dim3A_46 : vector<16x128xi1>, vector<16x128xf32>
    %dot_general3A = arith.constant dense<0.000000e+00> : vector<1000x128xf32>
    %dot_general3A_48 = tpu.matmul %add3A_19, %select_n3A_47, %dot_general3A {dimension_numbers = #tpu.dot_dimension_numbers<[1], [0], [0], [1], [0, 0, 1, 1], [], []>, transpose_lhs_hint = false} : vector<1000x16xf32>, vector<16x128xf32>, vector<1000x128xf32> -> vector<1000x128xf32>
    %gt3A = arith.constant 0.000000e+00 : f32
    %gt3A_49 = vector.broadcast %gt3A : f32 to vector<1000x128xf32>
    %gt3A_50 = arith.cmpf ogt, %dot_general3A_48, %gt3A_49 : vector<1000x128xf32>
    %div3A_51 = arith.divf %add3A, %dot_general3A_48 : vector<1000x128xf32>
    %jit3A_52 = arith.constant 0.000000e+00 : f32
    %broadcast_in_dim3A_53 = vector.broadcast %jit3A_52 : f32 to vector<1000x128xf32>
    %select_n3A_54 = arith.select %gt3A_50, %div3A_51, %broadcast_in_dim3A_53 : vector<1000x128xi1>, vector<1000x128xf32>
    %get3A_55 = arith.constant 0 : index
    %get3A_56 = arith.constant 0 : index
    %get3A_57 = vector.load %arg3[%get3A_55, %get3A_56] : memref<1x128xf32, #tpu.memory_space<vmem>>, vector<1x128xf32>
    %add3A_58 = vector.broadcast %get3A_57 : vector<1x128xf32> to vector<1000x128xf32>
    %add3A_59 = arith.addf %select_n3A_54, %add3A_58 : vector<1000x128xf32>
    %swap3A = arith.constant 0 : index
    %swap3A_60 = arith.constant 0 : index
    %swap3A_61 = vector.load %arg4[%swap3A, %swap3A_60] : memref<1000x128xf32, #tpu.memory_space<vmem>>, vector<1000x128xf32>
    tpu.vector_store %arg4[%swap3A, %swap3A_60], %add3A_59 {strides = array<i32>} : memref<1000x128xf32, #tpu.memory_space<vmem>>, vector<1000x128xf32>,
    return
  }
  func.func @transform_0(%arg0: i32) -> (i32, i32, i32) {
    %c0_i32 = arith.constant 0 : i32
    %c0_i32_0 = arith.constant 0 : i32
    %c0_i32_1 = arith.constant 0 : i32
    return %c0_i32, %arg0, %c0_i32_0 : i32, i32, i32
  }
  func.func @transform_1(%arg0: i32) -> (i32, i32, i32) {
    %c0_i32 = arith.constant 0 : i32
    %c0_i32_0 = arith.constant 0 : i32
    %c0_i32_1 = arith.constant 0 : i32
    return %c0_i32, %arg0, %c0_i32_0 : i32, i32, i32
  }
  func.func @transform_2(%arg0: i32) -> (i32, i32) {
    %c0_i32 = arith.constant 0 : i32
    %c0_i32_0 = arith.constant 0 : i32
    %c0_i32_1 = arith.constant 0 : i32
    return %c0_i32, %c0_i32_0 : i32, i32
  }
  func.func @transform_3(%arg0: i32) -> (i32, i32) {
    %c0_i32 = arith.constant 0 : i32
    %c0_i32_0 = arith.constant 0 : i32
    return %arg0, %c0_i32 : i32, i32
  }
}

</mosaic_0001>

<sc_bundles>
// kernel: kernel.5.cloned.1.call-start
scs
__scs_entry_jumppad:
0x0: {  	(pc) =	sbr.rel $0x88, $3  }
0x1: {  	(tag) =	ssettag $0x0;
	lr =	simm.s32 $0x1  }
0x2: {  	[smem:$0x3F9B] =	sst lr;
	_ =	strace $0xD0000000  }
0x3: {  	_ = 	snop  }
0x4: {  	_ = 	snop  }
0x5: {  	_ = 	snop  }
0x6: {  	_ = 	snop  }
0x7: {  	_ = 	snop  }
__scs_overlays_trampoline_lowered:
0x8: {  	[smem:$0x3FAA] =	sst s0  }
0x9: {  	[smem:$0x3FAB] =	sst s1  }
0xa: {  	[smem:$0x3FAC] =	sst s2  }
0xb: {  	[smem:$0x3FAD] =	sst s3  }
0xc: {  	[smem:$0x3FAE] =	sst s4  }
0xd: {  	[smem:$0x3FAF] =	sst s5  }
0xe: {  	[smem:$0x3FB0] =	sst s6  }
0xf: {  	[smem:$0x3FB1] =	sst s7  }
0x10: {  	[smem:$0x3FB2] =	sst s8  }
0x11: {  	[smem:$0x3FB3] =	sst s9;
	s0 =	simm.s32 @!p0 $0x0  }
0x12: {  	s1 =	sld [smem:$0x3F99];
	s0 =	simm.s32 @p0 $0x1  }
0x13: {  	[smem:$0x3FB4] =	sst s0;
	s0 =	simm.s32 @!p1 $0x0  }
0x14: {  	s2 =	sld [smem:$0x3F98];
	s0 =	simm.s32 @p1 $0x1  }
0x15: {  	[smem:$0x3FB5] =	sst s0;
	s0 =	simm.s32 @!p2 $0x0  }
0x16: {  	s3 =	sld [smem:$0x3FDB];
	s0 =	simm.s32 @p2 $0x1  }
0x17: {  	s4 =	simm.s32 $0x1BF5;
	[smem:$0x3FB7] =	sst s0  }
0x18: {  	s0 =	sld [smem:$0x3F9A];
	_ =	swait.ge [sflag:s4], $0x0  }
0x19: {  	s7 =	sld [smem:$0x3F9B]  }
0x1a: {  	s8 =	sadd.s32 $0xFFFFE003, lr  }
0x1b: {  	s9 =	sadd.s32 $0xFFFFFEF7, lr;
	s5 =	simm.s32 $0xFFFFFFFF;
	p2 =	slt.u32 s8, $0xFFFFF086  }
0x1c: {  	p1 =	slt.u32 s9, $0xF7A;
	s5 =	simm.s32 @!p2 $0x0  }
0x1d: {  	s5 =	simm.s32 @p1 $0x1;
	p0 =	seq.s32 s7, s2  }
0x1e: {  	s7 =	smul.u32 @!p0 $0xF7A, s2;
	p2 =	seq.s32 @!p0 s5, $0x0  }
0x1f: {  	s9 =	smul.u32 $0xF7A, s1;
	s8 =	simm.s32 @!p0 $0x1BF5;
	p2 =	por !p2, p0  }
0x20: {  	[sflag:s8] =	ssyncset.s32 @!p0 $0xFFFFF086;
	s6 =	sadd.s32 @!p0 s3, s7;
	s7 =	simm.s32 @!p0 $0x108  }
0x21: {  	s3 =	sadd.s32 s3, s9;
	s6 =	sadd.s32 @!p0 $0x88, s6;
	s7 =	simm.s32 @p2 $0x1082  }
0x22: {  	[simem:s7], [sflag:s8] =	dma.local @!p0 [hbm:s6], $0xF7A  }
0x23: {  	s9 =	sor.u32 $0xD0000000, s2;
	s6 =	simm.s32 $0x108;
	_ =	swait.ge @!p0 [sflag:s8], $0x0  }
0x24: {  	s3 =	sadd.s32 $0x88, s3;
	s6 =	simm.s32 @!p1 $0x1082;
	[sflag:s4] =	ssyncset.s32 $0xFFFFF086  }
0x25: {  	[simem:s6], [sflag:s4] =	dma.local [hbm:s3], $0xF7A  }
0x26: {  	[smem:$0x3F9B] =	sst s1;
	(tag) =	ssettag s2;
	_ =	strace s9  }
0x27: {  	s1 =	sld [smem:$0x3FAB]  }
0x28: {  	s2 =	sld [smem:$0x3FAC]  }
0x29: {  	s4 =	sld [smem:$0x3FAE]  }
0x2a: {  	p0 =	seq.s32 s5, $0x0;
	s5 =	sld [smem:$0x3FAF]  }
0x2b: {  	s6 =	sld [smem:$0x3FB0]  }
0x2c: {  	s7 =	sld [smem:$0x3FB1]  }
0x2d: {  	s3 =	simm.s32 $0x108;
	s8 =	sld [smem:$0x3FB2]  }
0x2e: {  	s3 =	simm.s32 @!p0 $0x1082;
	s9 =	sld [smem:$0x3FB3]  }
0x2f: {  	lr =	sadd.s32 s0, s3;
	s0 =	sld [smem:$0x3FAA]  }
0x30: {  	s3 =	sld [smem:$0x3FAD]  }
0x31: {  	[smem:$0x3FB6] =	sst s10  }
0x32: {  	s10 =	sld [smem:$0x3FB4];
	_ =	sdelay $0x3  }
0x33: {  	p0 =	seq.s32 s10, $0x1;
	s10 =	sld [smem:$0x3FB6];
	_ =	sdelay $0x3  }
0x34: {  	[smem:$0x3FB6] =	sst s10  }
0x35: {  	s10 =	sld [smem:$0x3FB5];
	_ =	sdelay $0x3  }
0x36: {  	p1 =	seq.s32 s10, $0x1;
	s10 =	sld [smem:$0x3FB6];
	_ =	sdelay $0x3  }
0x37: {  	[smem:$0x3FB6] =	sst s10  }
0x38: {  	s10 =	sld [smem:$0x3FB7]  }
0x39: {  	_ = 	snop;
	(pc) =	sbr.ind lr, $3  }
0x3a: {  	_ = 	snop  }
0x3b: {  	_ = 	snop  }
0x3c: {  	p2 =	seq.s32 s10, $0x1;
	s10 =	sld [smem:$0x3FB6]  }
0x3d: {  	_ =	shalt  }
0x3e: {  	_ =	shalt  }
0x3f: {  	_ =	shalt  }
0x40: {  	_ =	shalt  }
0x41: {  	_ =	shalt  }
0x42: {  	_ =	shalt  }
0x43: {  	_ =	shalt  }
0x44: {  	_ =	shalt  }
0x45: {  	_ =	shalt  }
0x46: {  	_ =	shalt  }
0x47: {  	_ =	shalt  }
0x48: {  	_ =	shalt  }
0x49: {  	_ =	shalt  }
0x4a: {  	_ =	shalt  }
0x4b: {  	_ =	shalt  }
0x4c: {  	_ =	shalt  }
0x4d: {  	_ =	shalt  }
0x4e: {  	_ =	shalt  }
0x4f: {  	_ =	shalt  }
0x50: {  	_ =	shalt  }
0x51: {  	_ =	shalt  }
0x52: {  	_ =	shalt  }
0x53: {  	_ =	shalt  }
0x54: {  	_ =	shalt  }
0x55: {  	_ =	shalt  }
0x56: {  	_ =	shalt  }
0x57: {  	_ =	shalt  }
0x58: {  	_ =	shalt  }
0x59: {  	_ =	shalt  }
0x5a: {  	_ =	shalt  }
0x5b: {  	_ =	shalt  }
0x5c: {  	_ =	shalt  }
0x5d: {  	_ =	shalt  }
0x5e: {  	_ =	shalt  }
0x5f: {  	_ =	shalt  }
0x60: {  	_ =	shalt  }
0x61: {  	_ =	shalt  }
0x62: {  	_ =	shalt  }
0x63: {  	_ =	shalt  }
0x64: {  	_ =	shalt  }
0x65: {  	_ =	shalt  }
0x66: {  	_ =	shalt  }
0x67: {  	_ =	shalt  }
0x68: {  	_ =	shalt  }
0x69: {  	_ =	shalt  }
0x6a: {  	_ =	shalt  }
0x6b: {  	_ =	shalt  }
0x6c: {  	_ =	shalt  }
0x6d: {  	_ =	shalt  }
0x6e: {  	_ =	shalt  }
0x6f: {  	_ =	shalt  }
0x70: {  	_ =	shalt  }
0x71: {  	_ =	shalt  }
0x72: {  	_ =	shalt  }
0x73: {  	_ =	shalt  }
0x74: {  	_ =	shalt  }
0x75: {  	_ =	shalt  }
0x76: {  	_ =	shalt  }
0x77: {  	_ =	shalt  }
0x78: {  	_ =	shalt  }
0x79: {  	_ =	shalt  }
0x7a: {  	_ =	shalt  }
0x7b: {  	_ =	shalt  }
0x7c: {  	_ =	shalt  }
0x7d: {  	_ =	shalt  }
0x7e: {  	_ =	shalt  }
0x7f: {  	_ =	shalt  }
0x80: {  	_ =	shalt  }
0x81: {  	_ =	shalt  }
0x82: {  	_ =	shalt  }
0x83: {  	_ =	shalt  }
0x84: {  	_ =	shalt  }
0x85: {  	_ =	shalt  }
0x86: {  	_ =	shalt  }
0x87: {  	_ =	shalt  }
.Lfunc_end0:
.L_simem_size_0:
called_computation_lowered:
.L_overlay_start_0:
0x88: {  	s2 =	sld [smem:$0x3FD9]  }
0x89: {  	s3 =	sld [smem:$0x3FFE];
	_ =	sdelay $0x1  }
0x8a: {  	s1 =	srdreg.scid  }
0x8b: {  	s0 =	sand.u32 $0x1, s1  }
0x8c: {  	s17 =	sshll.u32 s0, $0xA;
	s2 =	sadd.s32 s3, s2  }
0x8d: {  	s2 =	sadd.s32 s2, s17  }
0x8e: {  	[smem:$0x3FC2] =	sst s2  }
0x8f: {  	_ = 	snop  }
0x90: {  	s2 =	sld [smem:$0x3FD0];
	(tm) =	ssettm $0x1  }
0x91: {  	s18 =	sld [smem:$0x3FFB];
	_ =	sdelay $0x3  }
0x92: {  	_ =	strace s18  }
0x93: {  	s3 =	sld [smem:$0x3FFC];
	_ =	sdelay $0x3  }
0x94: {  	_ =	strace s3  }
0x95: {  	s3 =	sld [smem:$0x3FFD];
	_ =	sdelay $0x3  }
0x96: {  	_ =	strace s3  }
0x97: {  	_ =	strace $0x8FFFFFFF  }
0x98: {  	s19 =	sld [smem:$0x3FDB];
	_ =	sdelay $0x1  }
0x99: {  	s4 =	simm.s32 $_scs_section_size  }
0x9a: {  	s5 =	simm.s32 $_size__tile_overlayer_lowered;
	s6 =	simm.s32 $_tile_overlayer_lowered  }
0x9b: {  	s22 =	simm.s32 $0x1BFF;
	s21 =	sshll.u32 s6, $0x1;
	s3 =	sadd.s32 s4, s19  }
0x9c: {  	s7 =	simm.s32 $0x0;
	s20 =	sshll.u32 s5, $0x1;
	s5 =	sadd.s32 s21, s3  }
0x9d: {  	[timem:s7], [sflag:s22] =	dma.local [hbm:s5], s20  }
0x9e: {  	_ =	swait.ge [sflag:s22], s20  }
0x9f: {  	s4 =	ssub.s32 $0x0, s20;
	[sflag:s22] =	ssyncset.done $0x0  }
0xa0: {  	[sflag:s22] =	ssyncadd.s32 s4;
	_ =	sdelay $0x1  }
0xa1: {  	s23 =	simm.s32 $0x1B8B  }
0xa2: {  	_ =	swait.ge [sflag:s23], $0x1  }
0xa3: {  	[sflag:s23] =	ssyncset.done $0x0  }
0xa4: {  	s25 =	simm.s32 $0x1B8E;
	s24 =	sld [smem:$0x3FFE];
	[sflag:s23] =	ssyncadd.s32 $0xFFFFFFFF  }
0xa5: {  	s26 =	simm.s32 $execute0_lowered;
	[smem:$0x3FD2] =	sst s25  }
0xa6: {  	s5 =	sshll.u32 s26, $0x1;
	_ =	strace $0x80000046;
	[dreg:$0x1] =	wrdreg $0xFFFFFFFF  }
0xa7: {  	s28 =	simm.s32 $_size_execute0_lowered;
	s3 =	sadd.s32 s3, s5;
	[dreg:$0x0] =	wrdreg $0x0  }
0xa8: {  	s5 =	sshll.u32 s28, $0x1;
	[dreg:$0x2] =	wrdreg s3  }
0xa9: {  	[dreg:$0x3] =	wrdreg s5  }
0xaa: {  	[dreg:$0x4] =	wrdreg $0xC0  }
0xab: {  	_ =	task [dreg:s7], $0x5FFFF  }
0xac: {  	[dreg:$0x1] =	wrdreg $0xFFFFFFFF  }
0xad: {  	[dreg:$0x0] =	wrdreg $0x60  }
0xae: {  	[dreg:$0x2] =	wrdreg s2  }
0xaf: {  	[dreg:$0x3] =	wrdreg s24  }
0xb0: {  	[dreg:$0x4] =	wrdreg $0x0  }
0xb1: {  	[dreg:$0x5] =	wrdreg $0x138800  }
0xb2: {  	[dreg:$0x6] =	wrdreg $0x9  }
0xb3: {  	_ =	task.clear_ibuf [dreg:s7], $0x7FFFF;
	_ =	strace $0x90000046  }
0xb4: {  	s29 =	simm.s32 $0x9;
	_ =	strace $0x80000048  }
0xb5: {  	_ =	swait.ge [sflag:s29], $0x1  }
0xb6: {  	[sflag:s29] =	ssyncadd.s32 $0xFFFFFFFF  }
0xb7: {  	_ =	strace $0x90000048  }
0xb8: {  	_ =	sfence  }
0xb9: {  	s30 =	sld [smem:$0x0];
	_ =	sdelay $0x2  }
0xba: {  	s31 =	sshll.u32 s1, $0xD;
	s1 =	sshrl.u32 s1, $0x2  }
0xbb: {  	s3 =	sand.u32 $0x4000, s31;
	s1 =	sadd.s32 s1, s30  }
0xbc: {  	s0 =	sor.u32 s3, s0;
	s1 =	sshll.u32 s1, $0x11  }
0xbd: {  	s0 =	sor.u32 s1, s0  }
0xbe: {  	s0 =	sadd.s32 $0x8F2B, s0  }
0xbf: {  	[sflag:s0] =	ssyncadd.remote.s32 $0x1  }
0xc0: {  	_ =	sfence.sel $0xFFFF  }
0xc1: {  	[dreg:$0x0] =	wrdreg $0xFFFFFFFF;
	(pc) =	sbr.abs _section_cstart, $3  }
0xc2: {  	[dreg:$0x1] =	wrdreg $0xFFFFFFFF  }
0xc3: {  	_ =	task.clear_ibuf [dreg:s7], $0x2FFFF;
	_ =	strace $0x9FFFFFFF  }
0xc4: {  	(tm) =	ssettm $0x7FFFFFFF  }
0xc5: {  	_ =	shalt  }
tec
execute0_lowered:
.L_overlay_start_1:
0x0: {  	(tag) =	ssettag $0x1  }
0x1: {  	s1 =	rddreg [dreg:$0x0]  }
0x2: {  	s0 =	srdreg.scid;
	s2 =	rddreg [dreg:$0x1]  }
0x3: {  	s16 =	stileid.u32;
	s3 =	rddreg [dreg:$0x2];
	s6 =	simm.s32 $0x0  }
0x4: {  	s28 =	simm.s32 $0x28;
	s30 =	simm.s32 $0x1ADB0;
	s31 =	simm.s32 $0x1C6D8  }
0x5: {  	s0 =	sand.u32 $0x1, s0;
	s8 =	smul.u32 $0x13800, s16;
	[smem:$0x7FF] =	sst s6  }
0x6: {  	s9 =	smul.u32 $0x2700, s16;
	s6 =	sadd.s32 $0x14A00, s2;
	s7 =	sadd.s32 $0x19A00, s2  }
0x7: {  	s13 =	sadd.s32 $0x54A00, s2;
	s14 =	sadd.s32 $0x4AC00, s2;
	s17 =	sshll.u32 s16, $0x6  }
0x8: {  	s19 =	sadd.s32 $0x138000, s3;
	s20 =	sadd.s32 $0x4AA00, s2;
	p0 =	sne.s32 s16, $0xF  }
0x9: {  	s4 =	sshll.u32 s0, $0x4;
	s12 =	ssub.s32 $0x2, s0;
	s18 =	smul.u32 $0x138800, s0  }
0xa: {  	s0 =	smul.u32 $0x27100, s0;
	s5 =	sor.u32 s16, s4;
	s4 =	rddreg [dreg:$0x3]  }
0xb: {  	_ =	strace $0x80000047;
	s10 =	sshrl.u32 s8, $0x3;
	s11 =	sshrl.u32 s9, $0x3  }
0xc: {  	s15 =	sshrl.u32 s12, $0x1;
	s29 =	sadd.s32 s8, s3;
	[dreg:$0x9] =	wrdreg s19  }
0xd: {  	[dreg:$0xa] =	wrdreg s20;
	s5 =	smul.u32 $0x4E2, s5;
	s10 =	sadd.s32 s10, s2  }
0xe: {  	s11 =	sadd.s32 s11, s2;
	s12 =	ssub.s32 s12, s15;
	[dreg:$0x5] =	wrdreg s29  }
0xf: {  	s21 =	sadd.s32 $0x27000, s4;
	s8 =	sadd.s32 s8, s18;
	s24 =	sadd.s32 s9, s0  }
0x10: {  	s25 =	sshrl.u32 s18, $0x3;
	s10 =	sadd.s32 $0x23A00, s10;
	[dreg:$0xb] =	wrdreg s21  }
0x11: {  	s0 =	sshrl.u32 s0, $0x3;
	s11 =	sadd.s32 $0x1EA00, s11;
	[dreg:$0x6] =	wrdreg s10  }
0x12: {  	s0 =	sadd.s32 s14, s0;
	s29 =	smax.u32 s12, $0x1;
	[dreg:$0x8] =	wrdreg s11  }
0x13: {  	s10 =	sor.u32 $0x1C05, s17;
	s17 =	sadd.s32 s9, s4;
	[dreg:$0x13] =	wrdreg s29  }
0x14: {  	s5 =	sadd.s32 s5, s2;
	s2 =	sadd.s32 $0x23800, s2;
	[dreg:$0x7] =	wrdreg s17  }
0x15: {  	s22 =	sshrl.u32 s8, $0x3;
	s0 =	sadd.s32 $0x4E00, s0;
	[dreg:$0xc] =	wrdreg s2  }
0x16: {  	s8 =	simm.s32 $0x1CC00;
	s23 =	sadd.s32 $0xAC00, s5;
	[dreg:$0x12] =	wrdreg s0  }
0x17: {  	s12 =	simm.s32 $0x3;
	s5 =	sadd.s32 $0xE00, s5;
	[dreg:$0xd] =	wrdreg s23  }
0x18: {  	s9 =	simm.s32 $0x1;
	s2 =	sadd.s32 s13, s22;
	[dreg:$0xe] =	wrdreg s5  }
0x19: {  	s11 =	simm.s32 $0x2;
	s0 =	simm.s32 $0x1B2B0;
	[dreg:$0xf] =	wrdreg s2  }
0x1a: {  	s2 =	sshrl.u32 s24, $0x3;
	s5 =	sadd.s32 s13, s25;
	s24 =	simm.s32 $0x5  }
0x1b: {  	s25 =	simm.s32 $0x1E000;
	s2 =	sadd.s32 s14, s2;
	s26 =	sadd.s32 $0x27000, s5  }
0x1c: {  	s5 =	simm.s32 $0x1C980;
	s14 =	simm.s32 $0x0;
	[dreg:$0x10] =	wrdreg s2  }
0x1d: {  	[dreg:$0x11] =	wrdreg s26;
	s26 =	simm.s32 $0x1C700;
	s2 =	simm.s32 $0x1E028  }
.LBB2_1:
0x1e: {  	s13 =	rddreg [dreg:$0x5]  }
0x1f: {  	s21 =	rddreg [dreg:$0x6];
	s15 =	sshrl.u32 s13, $0x3  }
0x20: {  	[dreg:$0x14] =	wrdreg s15  }
0x21: {  	[spmem:s15], [sflag:s10] =	dma.local [hbm:s21], $0x2700  }
0x22: {  	_ =	swait.ge [sflag:s24], $0x2700  }
0x23: {  	[sflag:s24] =	ssyncset.done $0x0;
	s22 =	rddreg [dreg:$0x7]  }
0x24: {  	s23 =	rddreg [dreg:$0x8];
	[sflag:s24] =	ssyncadd.s32 $0xFFFFD900;
	s16 =	sshrl.u32 s22, $0x3  }
0x25: {  	[spmem:s16], [sflag:s10] =	dma.local [hbm:s23], $0x4E0  }
0x26: {  	_ =	swait.ge [sflag:s24], $0x4E0  }
0x27: {  	[sflag:s24] =	ssyncset.done $0x0;
	s13 =	rddreg [dreg:$0x9]  }
0x28: {  	[sflag:s24] =	ssyncadd.s32 $0xFFFFFB20;
	s17 =	sshrl.u32 @!p0 s13, $0x3;
	s13 =	rddreg [dreg:$0xa]  }
0x29: {  	[spmem:s17], [sflag:s10] =	dma.local @!p0 [hbm:s13], $0x100  }
0x2a: {  	s13 =	simm.s32 @!p0 $0x5  }
0x2b: {  	_ =	swait.ge @!p0 [sflag:s13], $0x100  }
0x2c: {  	[sflag:s13] =	ssyncset.done @!p0 $0x0;
	s15 =	rddreg [dreg:$0xb]  }
0x2d: {  	[sflag:s13] =	ssyncadd.s32 @!p0 $0xFFFFFF00;
	s18 =	sshrl.u32 @!p0 s15, $0x3;
	s15 =	rddreg [dreg:$0xc]  }
0x2e: {  	[spmem:s18], [sflag:s10] =	dma.local @!p0 [hbm:s15], $0x20  }
0x2f: {  	_ =	swait.ge @!p0 [sflag:s13], $0x20  }
0x30: {  	[sflag:s13] =	ssyncset.done @!p0 $0x0  }
0x31: {  	[sflag:s13] =	ssyncadd.s32 @!p0 $0xFFFFFFE0  }
0x32: {  	[bflag:$0x0] =	sbarrier.arrive $0xFFFF  }
0x33: {  	s29 =	simm.s32 $0x0;
	s19 =	simm.s32 $0x15F90;
	s20 =	rddreg [dreg:$0xd]  }
0x34: {  	[tilespmem:s19], [sflag:$0x5] =	stream.linear.gather [hbm4b:s20+s29], $0x2710, $0x38;
	[tilespmem:$0x1E050] =	vst v63  }
0x35: {  	_ =	swait.ge [sflag:s24], $0x2710  }
0x36: {  	[sflag:s24] =	ssyncset.done $0x0  }
0x37: {  	s22 =	simm.s32 $0x186A0;
	s21 =	rddreg [dreg:$0xe];
	[sflag:s24] =	ssyncadd.s32 $0xFFFFD8F0  }
0x38: {  	[tilespmem:s22], [sflag:$0x5] =	stream.linear.gather [hbm4b:s21+s29], $0x2710, $0x38;
	[tilespmem:$0x1E050] =	vst v63  }
0x39: {  	_ =	swait.ge [sflag:s24], $0x2710  }
0x3a: {  	[sflag:s24] =	ssyncset.done $0x0  }
0x3b: {  	[sflag:s24] =	ssyncadd.s32 $0xFFFFD8F0  }
0x3c: {  	v0 =	vld [tilespmem:$0x15F90]  }
0x3d: {  	v1 =	vld [tilespmem:$0x186A0]  }
0x3e: {  	v2 =	vld [tilespmem:$0x15FA0]  }
0x3f: {  	v3 =	vld [tilespmem:$0x186B0]  }
0x40: {  	v4 =	vld [tilespmem:$0x15FA8]  }
0x41: {  	v63 =	vld [tilespmem:$0x186B8];
	[tilespmem:$0x1C6B0] =	vst v0  }
0x42: {  	[tilespmem:$0x1C6D8] =	vst v1  }
0x43: {  	[tilespmem:$0x1C6C0] =	vst v2  }
0x44: {  	[tilespmem:$0x1C6E8] =	vst v3  }
0x45: {  	[tilespmem:$0x1C6C8] =	vst v4  }
0x46: {  	s23 =	simm.s32 $0x1C6B0;
	[tilespmem:$0x1C6F0] =	vst v63  }
0x47: {  	[tilespmem:s30], [sflag:$0x1] =	stream.indirect.gather [hbm4b:s6+s28], $0x10, s23, s28, $0xb8;
	[tilespmem:$0x1E050] =	vst v63  }
0x48: {  	s29 =	simm.s32 $0x1B030  }
0x49: {  	[tilespmem:s29], [sflag:$0x1] =	stream.indirect.gather [hbm4b:s7+s28], $0x10, s31, s28, $0xb8;
	[tilespmem:$0x1E050] =	vst v63  }
0x4a: {  	s19 =	simm.s32 $0x0  }
0x4b: {  	[tilespmem:s0], [sflag:$0x1] =	stream.indirect.gather [hbm4b:s1+s28], $0x80, s23, s28, $0xb8;
	[tilespmem:$0x1E050] =	vst v63  }
.LBB2_2:
0x4c: {  	p1 =	seq.s32 s19, $0x0  }
0x4d: {  	s13 =	simm.s32 @!p1 $0x4  }
0x4e: {  	_ =	swait.ge @!p1 [sflag:s13], $0x1400  }
0x4f: {  	[sflag:s13] =	ssyncset.done @!p1 $0x0  }
0x50: {  	[sflag:s13] =	ssyncadd.s32 @!p1 $0xFFFFEC00  }
0x51: {  	_ =	swait.ge @!p1 [sflag:s13], $0x280  }
0x52: {  	s29 =	smul.u32 $0x50, s19;
	[sflag:s13] =	ssyncset.done @!p1 $0x0  }
0x53: {  	[sflag:s13] =	ssyncadd.s32 @!p1 $0xFFFFFD80  }
0x54: {  	v0 =	vld [tilespmem:s29+$0x15FB8];
	_ =	sdelay $0x4  }
0x55: {  	[tilespmem:$0x1E000] =	vst v0  }
0x56: {  	v0 =	vld [tilespmem:s29+$0x186C8];
	_ =	sdelay $0x4  }
0x57: {  	[tilespmem:$0x1E028] =	vst v0  }
0x58: {  	v0 =	vld [tilespmem:s29+$0x15FC8];
	_ =	sdelay $0x4  }
0x59: {  	[tilespmem:$0x1E010] =	vst v0  }
0x5a: {  	v0 =	vld [tilespmem:s29+$0x186D8];
	_ =	sdelay $0x4  }
0x5b: {  	[tilespmem:$0x1E038] =	vst v0  }
0x5c: {  	v0 =	vld [tilespmem:s29+$0x15FD0];
	_ =	sdelay $0x4  }
0x5d: {  	[tilespmem:$0x1E018] =	vst v0  }
0x5e: {  	v0 =	vld [tilespmem:s29+$0x186E0];
	_ =	sdelay $0x4  }
0x5f: {  	[tilespmem:$0x1E040] =	vst v0  }
0x60: {  	[tilespmem:s26], [sflag:$0x3] =	stream.indirect.gather [hbm4b:s6+s28], $0x10, s25, s28, $0xb8;
	[tilespmem:$0x1E050] =	vst v63  }
0x61: {  	_ = 	snop  }
0x62: {  	[tilespmem:s5], [sflag:$0x3] =	stream.indirect.gather [hbm4b:s7+s28], $0x10, s2, s28, $0xb8;
	[tilespmem:$0x1E050] =	vst v63  }
0x63: {  	_ = 	snop  }
0x64: {  	[tilespmem:s8], [sflag:$0x3] =	stream.indirect.gather [hbm4b:s1+s28], $0x80, s25, s28, $0xb8;
	[tilespmem:$0x1E050] =	vst v63  }
0x65: {  	_ =	swait.ge [sflag:s9], $0x280  }
0x66: {  	[sflag:s9] =	ssyncset.done $0x0  }
0x67: {  	[sflag:s9] =	ssyncadd.s32 $0xFFFFFD80  }
0x68: {  	_ =	swait.ge [sflag:s9], $0x280  }
0x69: {  	[sflag:s9] =	ssyncset.done $0x0  }
0x6a: {  	[sflag:s9] =	ssyncadd.s32 $0xFFFFFD80  }
0x6b: {  	_ =	swait.ge [sflag:s9], $0x1400  }
0x6c: {  	[sflag:s9] =	ssyncset.done $0x0  }
0x6d: {  	s21 =	simm.s32 $0x1B040;
	[sflag:s9] =	ssyncadd.s32 $0xFFFFEC00  }
0x6e: {  	s22 =	simm.s32 $0x1ADC0;
	v55 =	vld [tilespmem:s21+$0xFFFFFFF0]  }
0x6f: {  	v1 =	vld [tilespmem:s22+$0xFFFFFFF0];
	_ =	sdelay $0x4  }
0x70: {  	v0 =	vadd.f32 v55, v1;
	_ =	sdelay $0x1  }
0x71: {  	v1 =	vmul.f32 $2.000000030e-01, v0;
	_ =	sdelay $0x1  }
0x72: {  	v0 =	vmax.f32 v0, v1  }
0x73: {  	v0 =	vmul.f32 $1.442695020e+00, v0;
	_ =	sdelay $0x1  }
0x74: {  	(erf) = vpow2.f32 v0;
	_ =	sdelay $0x8  }
0x75: {  	v0 =	vpop (erf)  }
0x76: {  	s20 =	simm.s32 $0x1B330;
	[tilespmem:s22+$0xFFFFFFF0] =	vst v0  }
0x77: {  	v56 =	vld [tilespmem:s20+$0xFFFFFF90]  }
0x78: {  	v2 =	vld [tilespmem:s20+$0xFFFFFF80]  }
0x79: {  	v3 =	vld [tilespmem:s20+$0xFFFFFFA0]  }
0x7a: {  	v4 =	vbroadcast v0, $0x0;
	v5 =	vld [tilespmem:s20+$0xFFFFFFB0]  }
0x7b: {  	v6 =	vld [tilespmem:s20+$0xFFFFFFD0]  }
0x7c: {  	v7 =	vbroadcast v0, $0x1;
	v8 =	vld [tilespmem:s20+$0xFFFFFFE0];
	v1 =	vmul.f32 v4, v56  }
0x7d: {  	v57 =	vld [tilespmem:s20+$0xFFFFFFF0];
	v2 =	vmul.f32 v4, v2  }
0x7e: {  	v9 =	vbroadcast v0, $0x2;
	v59 =	vld [tilespmem:s20+$0xFFFFFFC0];
	v58 =	vmul.f32 v7, v3;
	[tilespmem:s20+$0xFFFFFF90] =	vst v1  }
0x7f: {  	v0 =	vbroadcast v0, $0x3;
	v60 =	vmul.f32 v5, v7;
	[tilespmem:s20+$0xFFFFFF80] =	vst v2  }
0x80: {  	v61 =	vmul.f32 v6, v9;
	[tilespmem:s20+$0xFFFFFFA0] =	vst v58  }
0x81: {  	v62 =	vmul.f32 v8, v0;
	[tilespmem:s20+$0xFFFFFFB0] =	vst v60  }
0x82: {  	v0 =	vmul.f32 v57, v0;
	[tilespmem:s20+$0xFFFFFFD0] =	vst v61  }
0x83: {  	v63 =	vmul.f32 v59, v9;
	[tilespmem:s20+$0xFFFFFFE0] =	vst v62  }
0x84: {  	[tilespmem:s20+$0xFFFFFFF0] =	vst v0  }
0x85: {  	[tilespmem:s20+$0xFFFFFFC0] =	vst v63  }
0x86: {  	v0 =	vld [tilespmem:s22+$0x0]  }
0x87: {  	v1 =	vld [tilespmem:s21+$0x0];
	_ =	sdelay $0x4  }
0x88: {  	v0 =	vadd.f32 v1, v0;
	_ =	sdelay $0x1  }
0x89: {  	v1 =	vmul.f32 $2.000000030e-01, v0;
	_ =	sdelay $0x1  }
0x8a: {  	v0 =	vmax.f32 v0, v1  }
0x8b: {  	v0 =	vmul.f32 $1.442695020e+00, v0;
	_ =	sdelay $0x1  }
0x8c: {  	(erf) = vpow2.f32 v0;
	_ =	sdelay $0x7  }
0x8d: {  	s23 =	simm.s32 $0x0;
	s15 =	simm.s32 $0x1B430;
	s13 =	simm.s32 $0x1ADC0  }
.LBB2_3:
0x8e: {  	s23 =	sadd.s32 $0x2, s23;
	s21 =	sadd.s32 $0x20, s21;
	s22 =	sadd.s32 $0x20, s22;
	v0 =	vpop (erf)  }
0x8f: {  	p1 =	slt.u32 s23, $0x26;
	[tilespmem:s13+$0x0] =	vst v0;
	s13 =	smov.u32 s22  }
0x90: {  	v1 =	vld [tilespmem:s20+$0x40]  }
0x91: {  	v2 =	vld [tilespmem:s20+$0x0]  }
0x92: {  	v3 =	vld [tilespmem:s20+$0x10]  }
0x93: {  	v5 =	vbroadcast v0, $0x2;
	v4 =	vld [tilespmem:s20+$0x30]  }
0x94: {  	v6 =	vld [tilespmem:s20+$0x50]  }
0x95: {  	v7 =	vbroadcast v0, $0x0;
	v1 =	vmul.f32 v1, v5;
	v8 =	vld [tilespmem:s20+$0x60]  }
0x96: {  	v9 =	vbroadcast v0, $0x1;
	v10 =	vld [tilespmem:s20+$0x70]  }
0x97: {  	v2 =	vmul.f32 v7, v2;
	v3 =	vmul.f32 v7, v3  }
0x98: {  	v0 =	vbroadcast v0, $0x3;
	v7 =	vld [tilespmem:s20+$0x20];
	v4 =	vmul.f32 v4, v9;
	[tilespmem:s20+$0x40] =	vst v1  }
0x99: {  	[tilespmem:s20+$0x10] =	vst v3;
	v1 =	vmul.f32 v6, v5  }
0x9a: {  	[tilespmem:s20+$0x0] =	vst v2;
	v2 =	vmul.f32 v8, v0  }
0x9b: {  	[tilespmem:s20+$0x30] =	vst v4;
	v0 =	vmul.f32 v10, v0  }
0x9c: {  	[tilespmem:s20+$0x50] =	vst v1  }
0x9d: {  	v1 =	vmul.f32 v9, v7;
	[tilespmem:s20+$0x70] =	vst v0  }
0x9e: {  	[tilespmem:s20+$0x60] =	vst v2  }
0x9f: {  	[tilespmem:s20+$0x20] =	vst v1;
	s20 =	smov.u32 s15;
	_ =	sdelay $0x1  }
0xa0: {  	v0 =	vld [tilespmem:s21+$0xFFFFFFF0]  }
0xa1: {  	v1 =	vld [tilespmem:s22+$0xFFFFFFF0];
	_ =	sdelay $0x4  }
0xa2: {  	v0 =	vadd.f32 v0, v1;
	_ =	sdelay $0x1  }
0xa3: {  	v1 =	vmul.f32 $2.000000030e-01, v0;
	_ =	sdelay $0x1  }
0xa4: {  	v0 =	vmax.f32 v0, v1  }
0xa5: {  	v0 =	vmul.f32 $1.442695020e+00, v0;
	_ =	sdelay $0x1  }
0xa6: {  	(erf) = vpow2.f32 v0;
	_ =	sdelay $0x8  }
0xa7: {  	v0 =	vpop (erf)  }
0xa8: {  	[tilespmem:s22+$0xFFFFFFF0] =	vst v0  }
0xa9: {  	v1 =	vld [tilespmem:s15+$0xFFFFFF90]  }
0xaa: {  	v2 =	vld [tilespmem:s15+$0xFFFFFF80]  }
0xab: {  	v3 =	vld [tilespmem:s15+$0xFFFFFFA0]  }
0xac: {  	v4 =	vbroadcast v0, $0x0;
	v5 =	vld [tilespmem:s15+$0xFFFFFFB0]  }
0xad: {  	v6 =	vld [tilespmem:s15+$0xFFFFFFD0]  }
0xae: {  	v7 =	vbroadcast v0, $0x1;
	v1 =	vmul.f32 v4, v1;
	v8 =	vld [tilespmem:s15+$0xFFFFFFE0]  }
0xaf: {  	v2 =	vmul.f32 v4, v2;
	v4 =	vld [tilespmem:s15+$0xFFFFFFF0]  }
0xb0: {  	v9 =	vbroadcast v0, $0x2;
	[tilespmem:s15+$0xFFFFFF90] =	vst v1;
	v1 =	vmul.f32 v7, v3;
	v3 =	vld [tilespmem:s15+$0xFFFFFFC0]  }
0xb1: {  	v0 =	vbroadcast v0, $0x3;
	[tilespmem:s15+$0xFFFFFF80] =	vst v2;
	v2 =	vmul.f32 v5, v7  }
0xb2: {  	[tilespmem:s15+$0xFFFFFFA0] =	vst v1;
	v1 =	vmul.f32 v6, v9  }
0xb3: {  	[tilespmem:s15+$0xFFFFFFB0] =	vst v2;
	v2 =	vmul.f32 v8, v0  }
0xb4: {  	[tilespmem:s15+$0xFFFFFFD0] =	vst v1;
	v0 =	vmul.f32 v4, v0  }
0xb5: {  	v1 =	vmul.f32 v3, v9;
	[tilespmem:s15+$0xFFFFFFE0] =	vst v2  }
0xb6: {  	[tilespmem:s15+$0xFFFFFFF0] =	vst v0  }
0xb7: {  	[tilespmem:s15+$0xFFFFFFC0] =	vst v1  }
0xb8: {  	v0 =	vld [tilespmem:s22+$0x0]  }
0xb9: {  	v1 =	vld [tilespmem:s21+$0x0];
	_ =	sdelay $0x4  }
0xba: {  	v0 =	vadd.f32 v1, v0;
	_ =	sdelay $0x1  }
0xbb: {  	v1 =	vmul.f32 $2.000000030e-01, v0;
	_ =	sdelay $0x1  }
0xbc: {  	v0 =	vmax.f32 v0, v1  }
0xbd: {  	v0 =	vmul.f32 $1.442695020e+00, v0;
	_ =	sdelay $0x1  }
0xbe: {  	(erf) = vpow2.f32 v0;
	_ =	sdelay $0x3  }
.Ltmp0:
0xbf: {  	(pc) =	sbr.rel @p1 .LBB2_3-.Ltmp0, $2  }
0xc0: {  	_ =	sdelay $0x2  }
0xc1: {  	s15 =	sadd.s32 $0x100, s15  }
0xc2: {  	v0 =	vpop (erf)  }
0xc3: {  	[tilespmem:s13+$0x0] =	vst v0  }
0xc4: {  	v1 =	vld [tilespmem:s20+$0x40]  }
0xc5: {  	v3 =	vld [tilespmem:s20+$0x10]  }
0xc6: {  	v2 =	vld [tilespmem:s20+$0x0]  }
0xc7: {  	v5 =	vbroadcast v0, $0x2;
	v4 =	vld [tilespmem:s20+$0x30]  }
0xc8: {  	v7 =	vbroadcast v0, $0x0;
	v6 =	vld [tilespmem:s20+$0x50]  }
0xc9: {  	v9 =	vld [tilespmem:s20+$0x70];
	v1 =	vmul.f32 v1, v5  }
0xca: {  	v10 =	vbroadcast v0, $0x1;
	v8 =	vld [tilespmem:s20+$0x60];
	v3 =	vmul.f32 v7, v3  }
0xcb: {  	v11 =	vld [tilespmem:s20+$0x20];
	v2 =	vmul.f32 v7, v2;
	[tilespmem:s20+$0x40] =	vst v1  }
0xcc: {  	v0 =	vbroadcast v0, $0x3;
	v42 =	vmul.f32 v4, v10;
	[tilespmem:s20+$0x10] =	vst v3  }
0xcd: {  	v43 =	vmul.f32 v6, v5;
	[tilespmem:s20+$0x0] =	vst v2  }
0xce: {  	v44 =	vmul.f32 v9, v0;
	[tilespmem:s20+$0x30] =	vst v42  }
0xcf: {  	v0 =	vmul.f32 v8, v0;
	[tilespmem:s20+$0x50] =	vst v43  }
0xd0: {  	v45 =	vmul.f32 v10, v11;
	[tilespmem:s20+$0x70] =	vst v44  }
0xd1: {  	[tilespmem:s20+$0x60] =	vst v0  }
0xd2: {  	[tilespmem:s20+$0x20] =	vst v45  }
0xd3: {  	[spmem:s3] =	stream.indirect.scatter.add.f32 [tilespmem:s0], [sflag:$0x2], $0x80, s31, s28, $0xb8;
	[tilespmem:$0x1E050] =	vst v63  }
0xd4: {  	_ = 	snop  }
0xd5: {  	[spmem:s4] =	stream.indirect.scatter.add.f32 [tilespmem:s30], [sflag:$0x2], $0x10, s31, s28, $0xb8;
	[tilespmem:$0x1E050] =	vst v63  }
0xd6: {  	_ =	swait.ge [sflag:s11], $0x1400  }
0xd7: {  	[sflag:s11] =	ssyncset.done $0x0  }
0xd8: {  	[sflag:s11] =	ssyncadd.s32 $0xFFFFEC00  }
0xd9: {  	_ =	swait.ge [sflag:s11], $0x280  }
0xda: {  	[sflag:s11] =	ssyncset.done $0x0  }
0xdb: {  	p1 =	seq.s32 s19, $0x7C;
	[sflag:s11] =	ssyncadd.s32 $0xFFFFFD80  }
0xdc: {  	v0 =	vld @!p1 [tilespmem:s29+$0x15FE0];
	_ =	sdelay $0x4  }
0xdd: {  	[tilespmem:$0x1C6B0] =	vst @!p1 v0  }
0xde: {  	v0 =	vld @!p1 [tilespmem:s29+$0x186F0];
	_ =	sdelay $0x4  }
0xdf: {  	[tilespmem:$0x1C6D8] =	vst @!p1 v0  }
0xe0: {  	v0 =	vld @!p1 [tilespmem:s29+$0x15FF0];
	_ =	sdelay $0x4  }
0xe1: {  	[tilespmem:$0x1C6C0] =	vst @!p1 v0  }
0xe2: {  	v0 =	vld @!p1 [tilespmem:s29+$0x18700];
	_ =	sdelay $0x4  }
0xe3: {  	[tilespmem:$0x1C6E8] =	vst @!p1 v0  }
0xe4: {  	v0 =	vld @!p1 [tilespmem:s29+$0x15FF8];
	_ =	sdelay $0x4  }
0xe5: {  	[tilespmem:$0x1C6C8] =	vst @!p1 v0  }
0xe6: {  	v0 =	vld @!p1 [tilespmem:s29+$0x18708];
	_ =	sdelay $0x4  }
0xe7: {  	s13 =	simm.s32 @!p1 $0x28;
	s15 =	simm.s32 @!p1 $0x1C6B0;
	s20 =	simm.s32 @!p1 $0x1ADB0;
	[tilespmem:$0x1C6F0] =	vst @!p1 v0  }
0xe8: {  	[tilespmem:s20], [sflag:$0x1] =	stream.indirect.gather @!p1 [hbm4b:s6+s13], $0x10, s15, s13, $0xb8;
	[tilespmem:$0x1E050] =	vst v63  }
0xe9: {  	s21 =	simm.s32 @!p1 $0x1B030;
	s20 =	simm.s32 @!p1 $0x1C6D8  }
0xea: {  	[tilespmem:s21], [sflag:$0x1] =	stream.indirect.gather @!p1 [hbm4b:s7+s13], $0x10, s20, s13, $0xb8;
	[tilespmem:$0x1E050] =	vst v63  }
0xeb: {  	s20 =	simm.s32 @!p1 $0x1B2B0  }
0xec: {  	[tilespmem:s20], [sflag:$0x1] =	stream.indirect.gather @!p1 [hbm4b:s1+s13], $0x80, s15, s13, $0xb8;
	[tilespmem:$0x1E050] =	vst v63  }
0xed: {  	_ =	swait.ge [sflag:s12], $0x280  }
0xee: {  	[sflag:s12] =	ssyncset.done $0x0  }
0xef: {  	[sflag:s12] =	ssyncadd.s32 $0xFFFFFD80  }
0xf0: {  	_ =	swait.ge [sflag:s12], $0x280  }
0xf1: {  	[sflag:s12] =	ssyncset.done $0x0  }
0xf2: {  	[sflag:s12] =	ssyncadd.s32 $0xFFFFFD80  }
0xf3: {  	_ =	swait.ge [sflag:s12], $0x1400  }
0xf4: {  	[sflag:s12] =	ssyncset.done $0x0  }
0xf5: {  	s21 =	simm.s32 $0x1C990;
	[sflag:s12] =	ssyncadd.s32 $0xFFFFEC00  }
0xf6: {  	s22 =	simm.s32 $0x1C710;
	v46 =	vld [tilespmem:s21+$0xFFFFFFF0]  }
0xf7: {  	v47 =	vld [tilespmem:s22+$0xFFFFFFF0];
	_ =	sdelay $0x4  }
0xf8: {  	v0 =	vadd.f32 v46, v47;
	_ =	sdelay $0x1  }
0xf9: {  	v1 =	vmul.f32 $2.000000030e-01, v0;
	_ =	sdelay $0x1  }
0xfa: {  	v0 =	vmax.f32 v0, v1  }
0xfb: {  	v0 =	vmul.f32 $1.442695020e+00, v0;
	_ =	sdelay $0x1  }
0xfc: {  	(erf) = vpow2.f32 v0;
	_ =	sdelay $0x8  }
0xfd: {  	v0 =	vpop (erf)  }
0xfe: {  	s20 =	simm.s32 $0x1CC80;
	[tilespmem:s22+$0xFFFFFFF0] =	vst v0  }
0xff: {  	v48 =	vld [tilespmem:s20+$0xFFFFFF90]  }
0x100: {  	v49 =	vld [tilespmem:s20+$0xFFFFFF80]  }
0x101: {  	v50 =	vld [tilespmem:s20+$0xFFFFFFA0]  }
0x102: {  	v51 =	vbroadcast v0, $0x0;
	v52 =	vld [tilespmem:s20+$0xFFFFFFB0]  }
0x103: {  	v53 =	vld [tilespmem:s20+$0xFFFFFFD0]  }
0x104: {  	v54 =	vbroadcast v0, $0x1;
	v55 =	vld [tilespmem:s20+$0xFFFFFFE0];
	v1 =	vmul.f32 v51, v48  }
0x105: {  	v56 =	vld [tilespmem:s20+$0xFFFFFFF0];
	v2 =	vmul.f32 v51, v49  }
0x106: {  	v59 =	vbroadcast v0, $0x2;
	v58 =	vld [tilespmem:s20+$0xFFFFFFC0];
	v57 =	vmul.f32 v54, v50;
	[tilespmem:s20+$0xFFFFFF90] =	vst v1  }
0x107: {  	v0 =	vbroadcast v0, $0x3;
	v60 =	vmul.f32 v52, v54;
	[tilespmem:s20+$0xFFFFFF80] =	vst v2  }
0x108: {  	v61 =	vmul.f32 v53, v59;
	[tilespmem:s20+$0xFFFFFFA0] =	vst v57  }
0x109: {  	v62 =	vmul.f32 v55, v0;
	[tilespmem:s20+$0xFFFFFFB0] =	vst v60  }
0x10a: {  	v0 =	vmul.f32 v56, v0;
	[tilespmem:s20+$0xFFFFFFD0] =	vst v61  }
0x10b: {  	v63 =	vmul.f32 v58, v59;
	[tilespmem:s20+$0xFFFFFFE0] =	vst v62  }
0x10c: {  	[tilespmem:s20+$0xFFFFFFF0] =	vst v0  }
0x10d: {  	[tilespmem:s20+$0xFFFFFFC0] =	vst v63  }
0x10e: {  	v0 =	vld [tilespmem:s22+$0x0]  }
0x10f: {  	v1 =	vld [tilespmem:s21+$0x0];
	_ =	sdelay $0x4  }
0x110: {  	v0 =	vadd.f32 v1, v0;
	_ =	sdelay $0x1  }
0x111: {  	v1 =	vmul.f32 $2.000000030e-01, v0;
	_ =	sdelay $0x1  }
0x112: {  	v0 =	vmax.f32 v0, v1  }
0x113: {  	v0 =	vmul.f32 $1.442695020e+00, v0;
	_ =	sdelay $0x1  }
0x114: {  	(erf) = vpow2.f32 v0;
	_ =	sdelay $0x7  }
0x115: {  	s23 =	simm.s32 $0x0;
	s15 =	simm.s32 $0x1CD80;
	s13 =	simm.s32 $0x1C710  }
.LBB2_5:
0x116: {  	s23 =	sadd.s32 $0x2, s23;
	s21 =	sadd.s32 $0x20, s21;
	s22 =	sadd.s32 $0x20, s22;
	v0 =	vpop (erf)  }
0x117: {  	p1 =	slt.u32 s23, $0x26;
	[tilespmem:s13+$0x0] =	vst v0;
	s13 =	smov.u32 s22  }
0x118: {  	v1 =	vld [tilespmem:s20+$0x40]  }
0x119: {  	v2 =	vld [tilespmem:s20+$0x0]  }
0x11a: {  	v3 =	vld [tilespmem:s20+$0x10]  }
0x11b: {  	v5 =	vbroadcast v0, $0x2;
	v4 =	vld [tilespmem:s20+$0x30]  }
0x11c: {  	v6 =	vld [tilespmem:s20+$0x50]  }
0x11d: {  	v7 =	vbroadcast v0, $0x0;
	v1 =	vmul.f32 v1, v5;
	v8 =	vld [tilespmem:s20+$0x60]  }
0x11e: {  	v9 =	vbroadcast v0, $0x1;
	v10 =	vld [tilespmem:s20+$0x70]  }
0x11f: {  	v2 =	vmul.f32 v7, v2;
	v3 =	vmul.f32 v7, v3  }
0x120: {  	v0 =	vbroadcast v0, $0x3;
	v7 =	vld [tilespmem:s20+$0x20];
	v4 =	vmul.f32 v4, v9;
	[tilespmem:s20+$0x40] =	vst v1  }
0x121: {  	[tilespmem:s20+$0x10] =	vst v3;
	v1 =	vmul.f32 v6, v5  }
0x122: {  	[tilespmem:s20+$0x0] =	vst v2;
	v2 =	vmul.f32 v8, v0  }
0x123: {  	[tilespmem:s20+$0x30] =	vst v4;
	v0 =	vmul.f32 v10, v0  }
0x124: {  	[tilespmem:s20+$0x50] =	vst v1  }
0x125: {  	v1 =	vmul.f32 v9, v7;
	[tilespmem:s20+$0x70] =	vst v0  }
0x126: {  	[tilespmem:s20+$0x60] =	vst v2  }
0x127: {  	[tilespmem:s20+$0x20] =	vst v1;
	s20 =	smov.u32 s15;
	_ =	sdelay $0x1  }
0x128: {  	v0 =	vld [tilespmem:s21+$0xFFFFFFF0]  }
0x129: {  	v1 =	vld [tilespmem:s22+$0xFFFFFFF0];
	_ =	sdelay $0x4  }
0x12a: {  	v0 =	vadd.f32 v0, v1;
	_ =	sdelay $0x1  }
0x12b: {  	v1 =	vmul.f32 $2.000000030e-01, v0;
	_ =	sdelay $0x1  }
0x12c: {  	v0 =	vmax.f32 v0, v1  }
0x12d: {  	v0 =	vmul.f32 $1.442695020e+00, v0;
	_ =	sdelay $0x1  }
0x12e: {  	(erf) = vpow2.f32 v0;
	_ =	sdelay $0x8  }
0x12f: {  	v0 =	vpop (erf)  }
0x130: {  	[tilespmem:s22+$0xFFFFFFF0] =	vst v0  }
0x131: {  	v1 =	vld [tilespmem:s15+$0xFFFFFF90]  }
0x132: {  	v2 =	vld [tilespmem:s15+$0xFFFFFF80]  }
0x133: {  	v3 =	vld [tilespmem:s15+$0xFFFFFFA0]  }
0x134: {  	v4 =	vbroadcast v0, $0x0;
	v5 =	vld [tilespmem:s15+$0xFFFFFFB0]  }
0x135: {  	v6 =	vld [tilespmem:s15+$0xFFFFFFD0]  }
0x136: {  	v7 =	vbroadcast v0, $0x1;
	v1 =	vmul.f32 v4, v1;
	v8 =	vld [tilespmem:s15+$0xFFFFFFE0]  }
0x137: {  	v2 =	vmul.f32 v4, v2;
	v4 =	vld [tilespmem:s15+$0xFFFFFFF0]  }
0x138: {  	v9 =	vbroadcast v0, $0x2;
	[tilespmem:s15+$0xFFFFFF90] =	vst v1;
	v1 =	vmul.f32 v7, v3;
	v3 =	vld [tilespmem:s15+$0xFFFFFFC0]  }
0x139: {  	v0 =	vbroadcast v0, $0x3;
	[tilespmem:s15+$0xFFFFFF80] =	vst v2;
	v2 =	vmul.f32 v5, v7  }
0x13a: {  	[tilespmem:s15+$0xFFFFFFA0] =	vst v1;
	v1 =	vmul.f32 v6, v9  }
0x13b: {  	[tilespmem:s15+$0xFFFFFFB0] =	vst v2;
	v2 =	vmul.f32 v8, v0  }
0x13c: {  	[tilespmem:s15+$0xFFFFFFD0] =	vst v1;
	v0 =	vmul.f32 v4, v0  }
0x13d: {  	v1 =	vmul.f32 v3, v9;
	[tilespmem:s15+$0xFFFFFFE0] =	vst v2  }
0x13e: {  	[tilespmem:s15+$0xFFFFFFF0] =	vst v0  }
0x13f: {  	[tilespmem:s15+$0xFFFFFFC0] =	vst v1  }
0x140: {  	v0 =	vld [tilespmem:s22+$0x0]  }
0x141: {  	v1 =	vld [tilespmem:s21+$0x0];
	_ =	sdelay $0x4  }
0x142: {  	v0 =	vadd.f32 v1, v0;
	_ =	sdelay $0x1  }
0x143: {  	v1 =	vmul.f32 $2.000000030e-01, v0;
	_ =	sdelay $0x1  }
0x144: {  	v0 =	vmax.f32 v0, v1  }
0x145: {  	v0 =	vmul.f32 $1.442695020e+00, v0;
	_ =	sdelay $0x1  }
0x146: {  	(erf) = vpow2.f32 v0;
	_ =	sdelay $0x3  }
.Ltmp1:
0x147: {  	(pc) =	sbr.rel @p1 .LBB2_5-.Ltmp1, $2  }
0x148: {  	_ =	sdelay $0x2  }
0x149: {  	s15 =	sadd.s32 $0x100, s15  }
0x14a: {  	v0 =	vpop (erf)  }
0x14b: {  	[tilespmem:s13+$0x0] =	vst v0  }
0x14c: {  	v1 =	vld [tilespmem:s20+$0x40]  }
0x14d: {  	v3 =	vld [tilespmem:s20+$0x10]  }
0x14e: {  	v2 =	vld [tilespmem:s20+$0x0]  }
0x14f: {  	v5 =	vbroadcast v0, $0x2;
	v4 =	vld [tilespmem:s20+$0x30]  }
0x150: {  	v7 =	vbroadcast v0, $0x0;
	v6 =	vld [tilespmem:s20+$0x50]  }
0x151: {  	v9 =	vld [tilespmem:s20+$0x70];
	v1 =	vmul.f32 v1, v5  }
0x152: {  	v10 =	vbroadcast v0, $0x1;
	v8 =	vld [tilespmem:s20+$0x60];
	v3 =	vmul.f32 v7, v3  }
0x153: {  	v11 =	vld [tilespmem:s20+$0x20];
	v2 =	vmul.f32 v7, v2;
	[tilespmem:s20+$0x40] =	vst v1  }
0x154: {  	v0 =	vbroadcast v0, $0x3;
	v60 =	vmul.f32 v4, v10;
	[tilespmem:s20+$0x10] =	vst v3  }
0x155: {  	v61 =	vmul.f32 v6, v5;
	[tilespmem:s20+$0x0] =	vst v2  }
0x156: {  	v62 =	vmul.f32 v9, v0;
	[tilespmem:s20+$0x30] =	vst v60  }
0x157: {  	s19 =	sadd.s32 $0x1, s19;
	v0 =	vmul.f32 v8, v0;
	[tilespmem:s20+$0x50] =	vst v61  }
0x158: {  	p1 =	sne.s32 s19, $0x7D;
	v63 =	vmul.f32 v10, v11;
	[tilespmem:s20+$0x70] =	vst v62  }
.Ltmp2:
0x159: {  	[tilespmem:s20+$0x60] =	vst v0;
	(pc) =	sbr.rel @p1 .LBB2_2-.Ltmp2, $4  }
0x15a: {  	[tilespmem:s20+$0x20] =	vst v63  }
0x15b: {  	[spmem:s3] =	stream.indirect.scatter.add.f32 [tilespmem:s8], [sflag:$0x4], $0x80, s2, s28, $0xb8;
	[tilespmem:$0x1E050] =	vst v63  }
0x15c: {  	_ = 	snop  }
0x15d: {  	[spmem:s4] =	stream.indirect.scatter.add.f32 [tilespmem:s26], [sflag:$0x4], $0x10, s2, s28, $0xb8;
	[tilespmem:$0x1E050] =	vst v63  }
0x15e: {  	s13 =	simm.s32 $0x4  }
0x15f: {  	_ =	swait.ge [sflag:s13], $0x1400  }
0x160: {  	[sflag:s13] =	ssyncset.done $0x0  }
0x161: {  	[sflag:s13] =	ssyncadd.s32 $0xFFFFEC00  }
0x162: {  	_ =	swait.ge [sflag:s13], $0x280  }
0x163: {  	[sflag:s13] =	ssyncset.done $0x0  }
0x164: {  	[sflag:s13] =	ssyncadd.s32 $0xFFFFFD80  }
0x165: {  	[bflag:$0x0] =	sbarrier.arrive $0xFFFF  }
0x166: {  	s22 =	rddreg [dreg:$0xf]  }
0x167: {  	s15 =	rddreg [dreg:$0x14]  }
0x168: {  	[hbm:s22], [sflag:s10] =	dma.local [spmem:s15], $0x2700  }
0x169: {  	_ =	swait.ge [sflag:s24], $0x2700  }
0x16a: {  	[sflag:s24] =	ssyncset.done $0x0  }
0x16b: {  	s23 =	rddreg [dreg:$0x10];
	[sflag:s24] =	ssyncadd.s32 $0xFFFFD900  }
0x16c: {  	[hbm:s23], [sflag:s10] =	dma.local [spmem:s16], $0x4E0  }
0x16d: {  	_ =	swait.ge [sflag:s24], $0x4E0  }
0x16e: {  	[sflag:s24] =	ssyncset.done $0x0  }
0x16f: {  	s13 =	rddreg [dreg:$0x11];
	[sflag:s24] =	ssyncadd.s32 $0xFFFFFB20  }
0x170: {  	[hbm:s13], [sflag:s10] =	dma.local @!p0 [spmem:s17], $0x100  }
0x171: {  	s13 =	simm.s32 @!p0 $0x5  }
0x172: {  	_ =	swait.ge @!p0 [sflag:s13], $0x100  }
0x173: {  	[sflag:s13] =	ssyncset.done @!p0 $0x0  }
0x174: {  	s15 =	rddreg [dreg:$0x12];
	[sflag:s13] =	ssyncadd.s32 @!p0 $0xFFFFFF00  }
0x175: {  	[hbm:s15], [sflag:s10] =	dma.local @!p0 [spmem:s18], $0x20  }
0x176: {  	_ =	swait.ge @!p0 [sflag:s13], $0x20  }
0x177: {  	s14 =	sadd.s32 $0x1, s14;
	s29 =	rddreg [dreg:$0x13]  }
0x178: {  	p1 =	sne.s32 s14, s29  }
.Ltmp3:
0x179: {  	_ = 	snop;
	(pc) =	sbr.rel @p1 .LBB2_1-.Ltmp3, $3  }
0x17a: {  	_ =	sdelay $0x1  }
0x17b: {  	[sflag:s13] =	ssyncset.done @!p0 $0x0  }
0x17c: {  	[sflag:s13] =	ssyncadd.s32 @!p0 $0xFFFFFFE0  }
0x17d: {  	_ =	sfence.sel $0x180000  }
0x17e: {  	[bflag:$0x0] =	sbarrier.arrive $0xFFFF  }
0x17f: {  	_ =	strace $0x90000047  }
0x180: {  	s0 =	stileid.u32;
	[bflag:$0x2] =	sbarrier.arrive $0xFFFF  }
0x181: {  	p0 =	sne.s32 s0, $0x0;
	s0 =	rddreg [dreg:$0x4]  }
0x182: {  	s0 =	sadd.s32 @!p0 $0x100000, s0  }
0x183: {  	[sflag:s0] =	ssyncadd.tile.s32 @!p0 $0x1;
	_ =	shalt  }
.Lfunc_end2:
_tile_overlayer_lowered:
.L_overlay_start_2:
0x184: {  	(tag) =	ssettag $0x2  }
0x185: {  	s0 =	rddreg [dreg:$0x0];
	s2 =	stileid.u32  }
0x186: {  	s1 =	rddreg [dreg:$0x1];
	p0 =	sne.s32 s2, $0x0  }
0x187: {  	s3 =	rddreg [dreg:$0x2];
	[bflag:$0x3] =	sbarrier.arrive $0xFFFF;
	s2 =	simm.s32 @!p0 $0x1C05  }
0x188: {  	[timem:s3], [sflag:s2] =	dma.local @!p0 [hbm:s0], s1  }
0x189: {  	s0 =	simm.s32 @!p0 $0x5  }
0x18a: {  	_ =	swait.ge @!p0 [sflag:s0], s1  }
0x18b: {  	s1 =	ssub.s32 @!p0 $0x0, s1;
	[sflag:s0] =	ssyncset.done @!p0 $0x0  }
0x18c: {  	[sflag:s0] =	ssyncadd.s32 @!p0 s1  }
0x18d: {  	[bflag:$0x3] =	sbarrier.arrive $0xFFFF  }
0x18e: {  	_ =	shalt  }

</sc_bundles>
